<compile_context>
chip_gen: v7x
topology: tpu7x:2x2x1
jax: 0.10.2.dev20260603
libtpu: 0.0.44.dev20260713+nightly
codegen_flags: <defaults>
</compile_context>

<pallas_src>
import functools

import jax
import jax.numpy as jnp
from jax import lax
from jax.experimental import pallas as pl
from jax.experimental.pallas import tpu as pltpu
from jax.experimental.pallas import tpu_sc as plsc

B, L = 4096, 50
EMB_DIM, HIDDEN = 128, 512
VPAD = 1024
CHUNK = 128
NCHUNK = (B // 32) * L // CHUNK
ROWS_PER_W = B // 32
NBUF = 2
PASS_ROWS = 32
NPASS = ROWS_PER_W // PASS_ROWS
PASS_POS = PASS_ROWS * L
PASS_PAD = 1664


def _sc_pool(idx_v, dstc, val_table, dmap, zeros2d, zeros1d):
  mesh = plsc.VectorSubcoreMesh(core_axis_name="c", subcore_axis_name="s")
  out_t = [
      jax.ShapeDtypeStruct((B, VPAD), jnp.float32),
      jax.ShapeDtypeStruct((B, VPAD), jnp.float32),
      jax.ShapeDtypeStruct((B, EMB_DIM), jnp.float32),
  ]

  @functools.partial(
      pl.kernel,
      mesh=mesh,
      out_type=out_t,
      compiler_params=pltpu.CompilerParams(needs_layout_passes=False),
      scratch_types=[
          pltpu.VMEM((NCHUNK, CHUNK), jnp.int32),
          pltpu.VMEM((NCHUNK, CHUNK), jnp.int32),
          pltpu.VMEM((PASS_PAD // 128, 128), jnp.int32),
          pltpu.VMEM((PASS_ROWS, VPAD), jnp.float32),
          pltpu.VMEM((NBUF * CHUNK, EMB_DIM), jnp.float32),
          pltpu.VMEM_SHARED((16 * ROWS_PER_W, EMB_DIM), jnp.float32),
      ] + [pltpu.SemaphoreType.DMA] * (2 * NBUF + 2),
  )
  def k(idx_v_hbm, dstc_hbm, vtab, dmap_hbm, zeros2d_hbm, zerosc_hbm,
        o_ct, o_ck, o_sv, idx_vm, dmap_vm, dst_vm, cnt_vm, rows_vm, acc_sh,
        *sems):
    gsems = sems[:NBUF]
    ssems = sems[NBUF:2 * NBUF]
    zsem, rsem = sems[2 * NBUF], sems[2 * NBUF + 1]
    s = lax.axis_index("s")
    wid = lax.axis_index("c") * 16 + s
    ones16 = jnp.ones((16,), jnp.float32)
    bufs = [rows_vm.at[pl.ds(j * CHUNK, CHUNK)] for j in range(NBUF)]

    rows16 = [lax.iota(jnp.int32, 16) + 16 * par for par in range(2)]

    pltpu.sync_copy(dmap_hbm.at[s], dmap_vm)
    pltpu.sync_copy(idx_v_hbm.at[wid], idx_vm)
    pltpu.sync_copy(zeros2d_hbm, acc_sh.at[pl.ds(s * ROWS_PER_W, ROWS_PER_W)])

    gsem, ssem = gsems[0], ssems[0]
    pltpu.async_copy(vtab.at[idx_vm.at[0]], bufs[0], gsem)

    def body(c, carry):
      off = lax.rem(c, 2) * CHUNK
      buf = rows_vm.at[pl.ds(off, CHUNK)]
      pltpu.make_async_copy(vtab.at[idx_vm.at[c]], buf, gsem).wait()

      @pl.when(c >= 1)
      def _():
        pltpu.make_async_copy(buf, acc_sh.at[dmap_vm.at[c]], ssem).wait()

      @pl.when(c <= NCHUNK - 2)
      def _():
        nbuf = rows_vm.at[pl.ds((CHUNK - off), CHUNK)]
        pltpu.async_copy(vtab.at[idx_vm.at[c + 1]], nbuf, gsem)

      pltpu.async_copy(buf, acc_sh.at[dmap_vm.at[c]], ssem, add=True)

      cm = lax.rem(c, 5)

      @pl.when(jnp.logical_and(cm == 3, c < 40))
      def _():
        @pl.when(c >= 8)
        def _():
          pltpu.make_async_copy(cnt_vm, o_ct.at[pl.ds(0, PASS_ROWS)],
                                rsem).wait()
        pltpu.async_copy(zerosc_hbm, cnt_vm, zsem)

      @pl.when(jnp.logical_and(cm == 0, jnp.logical_and(c >= 5, c <= 40)))
      def _():
        p = c // 5 - 1
        t = p // 4
        q = lax.rem(p, 4)
        pltpu.make_async_copy(zerosc_hbm, cnt_vm, zsem).wait()
        pltpu.sync_copy(dstc_hbm.at[t].at[wid].at[q], dst_vm)

        def cbody(r, carry):
          for j in range(8):
            col16 = dst_vm[r, pl.ds(j * 16, 16)]
            plsc.addupdate_scatter(cnt_vm, [rows16[j % 2], col16], ones16)
          return carry

        lax.fori_loop(0, 12, cbody, 0)
        for j in range(4):
          col16 = dst_vm[12, pl.ds(j * 16, 16)]
          plsc.addupdate_scatter(cnt_vm, [rows16[j % 2], col16], ones16)

        row0 = wid * ROWS_PER_W + q * PASS_ROWS

        @pl.when(t == 0)
        def _():
          pltpu.async_copy(cnt_vm, o_ct.at[pl.ds(row0, PASS_ROWS)], rsem)

        @pl.when(t == 1)
        def _():
          pltpu.async_copy(cnt_vm, o_ck.at[pl.ds(row0, PASS_ROWS)], rsem)

      return carry

    lax.fori_loop(0, NCHUNK, body, 0)
    pltpu.make_async_copy(bufs[0], acc_sh.at[dmap_vm.at[0]], ssem).wait()
    pltpu.make_async_copy(cnt_vm, o_ct.at[pl.ds(0, PASS_ROWS)], rsem).wait()
    pltpu.sync_copy(acc_sh.at[pl.ds(s * ROWS_PER_W, ROWS_PER_W)],
                    o_sv.at[pl.ds(wid * ROWS_PER_W, ROWS_PER_W)])

  return k(idx_v, dstc, val_table, dmap, zeros2d, zeros1d)


def _tc_head(ct, ck, sv, tp, kp, wt_t, wk_t, wv_t, b2):
  BM = 512
  grid = (B // BM,)

  def body(ct_r, ck_r, sv_r, tp_r, kp_r, wt_r, wk_r, wv_r, b_r, o_r):
    st = jnp.dot(ct_r[...], tp_r[...], preferred_element_type=jnp.float32)
    sk = jnp.dot(ck_r[...], kp_r[...], preferred_element_type=jnp.float32)
    acc = jnp.dot(st, wt_r[...], preferred_element_type=jnp.float32)
    acc += jnp.dot(sk, wk_r[...], preferred_element_type=jnp.float32)
    acc += jnp.dot(sv_r[...], wv_r[...], preferred_element_type=jnp.float32)
    o_r[...] = jnp.maximum(acc * (1.0 / L) + b_r[...], 0.0)

  return pl.pallas_call(
      body,
      grid=grid,
      in_specs=[
          pl.BlockSpec((BM, VPAD), lambda i: (i, 0)),
          pl.BlockSpec((BM, VPAD), lambda i: (i, 0)),
          pl.BlockSpec((BM, EMB_DIM), lambda i: (i, 0)),
          pl.BlockSpec((VPAD, EMB_DIM), lambda i: (0, 0)),
          pl.BlockSpec((VPAD, EMB_DIM), lambda i: (0, 0)),
          pl.BlockSpec((EMB_DIM, HIDDEN), lambda i: (0, 0)),
          pl.BlockSpec((EMB_DIM, HIDDEN), lambda i: (0, 0)),
          pl.BlockSpec((EMB_DIM, HIDDEN), lambda i: (0, 0)),
          pl.BlockSpec((1, HIDDEN), lambda i: (0, 0)),
      ],
      out_specs=pl.BlockSpec((BM, HIDDEN), lambda i: (i, 0)),
      out_shape=jax.ShapeDtypeStruct((B, HIDDEN), jnp.float32),
  )(ct, ck, sv, tp, kp, wt_t, wk_t, wv_t, b2)


def _counts_dst(idx):
  d = idx.astype(jnp.int32).reshape(32, NPASS, PASS_ROWS, L)
  d = d.transpose(0, 1, 3, 2).reshape(32, NPASS, PASS_POS)
  pad = jnp.zeros((32, NPASS, PASS_PAD - PASS_POS), jnp.int32)
  return jnp.concatenate([d, pad], axis=-1).reshape(32, NPASS, 13, 128)


def kernel(sol_type_idx, sol_key_idx, sol_val_idx, type_table, key_table,
           val_table, W, b):
  idx_v = sol_val_idx.astype(jnp.int32).reshape(32, NCHUNK, CHUNK)
  dstc = jnp.stack([_counts_dst(sol_type_idx), _counts_dst(sol_key_idx)])
  pos = jnp.arange(ROWS_PER_W * L, dtype=jnp.int32) // L
  dmap = (jnp.arange(16, dtype=jnp.int32)[:, None] * ROWS_PER_W +
          pos[None, :]).reshape(16, NCHUNK, CHUNK)
  zeros2d = jnp.zeros((ROWS_PER_W, EMB_DIM), jnp.float32)
  zerosc = jnp.zeros((PASS_ROWS, VPAD), jnp.float32)

  ct, ck, sv = _sc_pool(idx_v, dstc, val_table, dmap, zeros2d, zerosc)

  tp = jnp.zeros((VPAD, EMB_DIM), jnp.float32).at[:1000].set(type_table)
  kp = jnp.zeros((VPAD, EMB_DIM), jnp.float32).at[:1000].set(key_table)
  wT = W.T
  return _tc_head(ct, ck, sv, tp, kp,
                  wT[:EMB_DIM], wT[EMB_DIM:2 * EMB_DIM], wT[2 * EMB_DIM:],
                  b.reshape(1, HIDDEN))

# --- scband reference (transcript-rebuilt; emitter-appended) ---
"""Pipeline reference for scband-pragma-encoder-46136538693912 (READ-ONLY COPY).

The authoritative reference and input builder live on the scoring server;
editing this copy changes nothing except your own understanding.
"""

import jax, jax.numpy as jnp
import numpy as np

B, L = 4096, 50
TYPE_VOCAB, KEY_VOCAB, VAL_VOCAB = 1000, 1000, 100000
EMB_DIM, HIDDEN = 128, 512


def setup_inputs(seed: int = 0) -> dict:
    key = jax.random.key(seed)
    ks = jax.random.split(key, 8)
    sol_type_idx = jax.random.randint(ks[0], (B, L), 0, TYPE_VOCAB)
    sol_key_idx = jax.random.randint(ks[1], (B, L), 0, KEY_VOCAB)
    sol_val_idx = jax.random.randint(ks[2], (B, L), 0, VAL_VOCAB)
    # Embedding tables; padding_idx=0 -> row 0 initialized to zeros (torch semantics)
    type_table = jax.random.normal(ks[3], (TYPE_VOCAB, EMB_DIM), jnp.float32).at[0].set(0.0)
    key_table = jax.random.normal(ks[4], (KEY_VOCAB, EMB_DIM), jnp.float32).at[0].set(0.0)
    val_table = jax.random.normal(ks[5], (VAL_VOCAB, EMB_DIM), jnp.float32).at[0].set(0.0)
    fan_in = EMB_DIM * 3
    bound = 1.0 / np.sqrt(fan_in)
    W = jax.random.uniform(ks[6], (HIDDEN, fan_in), jnp.float32, -bound, bound)
    b = jax.random.uniform(ks[7], (HIDDEN,), jnp.float32, -bound, bound)
    return {
        'sol_type_idx': sol_type_idx,
        'sol_key_idx': sol_key_idx,
        'sol_val_idx': sol_val_idx,
        'type_table': type_table,
        'key_table': key_table,
        'val_table': val_table,
        'W': W,
        'b': b,
    }


def reference(sol_type_idx, sol_key_idx, sol_val_idx, type_table, key_table, val_table, W, b):
    # indices are already 2D [B, L]; torch branch for 1D inputs not triggered
    te = jnp.take(type_table, sol_type_idx, axis=0)   # [B, L, D]
    ke = jnp.take(key_table, sol_key_idx, axis=0)     # [B, L, D]
    ve = jnp.take(val_table, sol_val_idx, axis=0)     # [B, L, D]
    seq = jnp.concatenate([te, ke, ve], axis=-1)      # [B, L, 3D]
    seq = seq.mean(axis=1)                            # [B, 3D]
    out = jax.nn.relu(seq @ W.T + b)                  # [B, HIDDEN]
    return out

if __name__ == "__main__":
    import jax
    _d = setup_inputs()
    print(jax.jit(kernel)(*tuple(_d.values())))

</pallas_src>

<mosaic_0001>
#map = affine_map<(d0, d1) -> (0, 0, 0)>
#map1 = affine_map<(d0, d1) -> (0, 0, 0, 0, 0)>
#map2 = affine_map<(d0, d1) -> (0, 0)>
module attributes {stable_mosaic.version = 14 : i64} {
  func.func @k(%arg0: i32, %arg1: i32, %arg2: memref<32x50x128xi32, #tpu.memory_space<hbm>>, %arg3: memref<2x32x4x13x128xi32, #tpu.memory_space<hbm>>, %arg4: memref<100000x128xf32, #tpu.memory_space<hbm>>, %arg5: memref<16x50x128xi32, #tpu.memory_space<hbm>>, %arg6: memref<128x128xf32, #tpu.memory_space<hbm>>, %arg7: memref<32x1024xf32, #tpu.memory_space<hbm>>, %arg8: memref<4096x1024xf32, #tpu.memory_space<hbm>>, %arg9: memref<4096x1024xf32, #tpu.memory_space<hbm>>, %arg10: memref<4096x128xf32, #tpu.memory_space<hbm>>, %arg11: memref<50x128xi32, #tpu.memory_space<vmem>>, %arg12: memref<50x128xi32, #tpu.memory_space<vmem>>, %arg13: memref<13x128xi32, #tpu.memory_space<vmem>>, %arg14: memref<32x1024xf32, #tpu.memory_space<vmem>>, %arg15: memref<256x128xf32, #tpu.memory_space<vmem>>, %arg16: memref<2048x128xf32, #tpu.memory_space<vmem_shared>>, %arg17: memref<!tpu.dma_semaphore, #tpu.memory_space<semaphore_mem>>, %arg18: memref<!tpu.dma_semaphore, #tpu.memory_space<semaphore_mem>>, %arg19: memref<!tpu.dma_semaphore, #tpu.memory_space<semaphore_mem>>, %arg20: memref<!tpu.dma_semaphore, #tpu.memory_space<semaphore_mem>>, %arg21: memref<!tpu.dma_semaphore, #tpu.memory_space<semaphore_mem>>, %arg22: memref<!tpu.dma_semaphore, #tpu.memory_space<semaphore_mem>>) attributes {dimension_semantics = [#tpu.dimension_semantics<core_parallel>, #tpu.dimension_semantics<subcore_parallel>], iteration_bounds = array<i64: 2, 16>, scalar_prefetch = 0 : i64, scratch_operands = 12 : i64, tpu.core_type = #tpu.core_type<sc_vector_subcore>, window_params = [{transform_indices = #map}, {transform_indices = #map1}, {transform_indices = #map2}, {transform_indices = #map}, {transform_indices = #map2}, {transform_indices = #map2}, {transform_indices = #map2}, {transform_indices = #map2}, {transform_indices = #map2}]} {
    %mul3A = arith.constant 16 : i32
    %mul3A_0 = arith.muli %arg0, %mul3A : i32
    %add3A = arith.addi %mul3A_0, %arg1 : i32
    %broadcast_in_dim3A = arith.constant 1.000000e+00 : f32
    %broadcast_in_dim3A_1 = vector.broadcast %broadcast_in_dim3A : f32 to vector<16xf32>
    %iota3A = tpu.iota {dimensions = array<i32: 0>} : vector<16xi32>
    %add3A_2 = arith.constant 0 : i32
    %add3A_3 = vector.broadcast %add3A_2 : i32 to vector<16xi32>
    %add3A_4 = arith.addi %iota3A, %add3A_3 : vector<16xi32>
    %iota3A_5 = tpu.iota {dimensions = array<i32: 0>} : vector<16xi32>
    %add3A_6 = arith.constant 16 : i32
    %add3A_7 = vector.broadcast %add3A_6 : i32 to vector<16xi32>
    %add3A_8 = arith.addi %iota3A_5, %add3A_7 : vector<16xi32>
    "tpu.region"() ({
      %run_scoped3A = tpu.sem_alloc : memref<!tpu.dma_semaphore, #tpu.memory_space<semaphore_mem>>
      %dma_start3A_44 = arith.constant 0 : i32
      %dma_start3A_45 = arith.constant 0 : i32
      %dma_start3A_46 = tpu.memref_slice %arg5[%arg1, %dma_start3A_44, %dma_start3A_45] : memref<16x50x128xi32, #tpu.memory_space<hbm>> -> memref<1x50x128xi32, #tpu.memory_space<hbm>>
      %dma_start3A_47 = tpu.memref_squeeze %dma_start3A_46 : memref<1x50x128xi32, #tpu.memory_space<hbm>> -> memref<50x128xi32, #tpu.memory_space<hbm>>
      %dma_start3A_48 = arith.constant 0 : i32
      %dma_start3A_49 = arith.constant 0 : i32
      %dma_start3A_50 = tpu.memref_slice %arg5[%arg1, %dma_start3A_48, %dma_start3A_49] : memref<16x50x128xi32, #tpu.memory_space<hbm>> -> memref<1x50x128xi32, #tpu.memory_space<hbm>>
      %dma_start3A_51 = tpu.memref_squeeze %dma_start3A_50 : memref<1x50x128xi32, #tpu.memory_space<hbm>> -> memref<50x128xi32, #tpu.memory_space<hbm>>
      tpu.enqueue_dma source(%dma_start3A_51 : memref<50x128xi32, #tpu.memory_space<hbm>>) target(%arg12 : memref<50x128xi32, #tpu.memory_space<vmem>>) target_semaphore(%run_scoped3A : memref<!tpu.dma_semaphore, #tpu.memory_space<semaphore_mem>>)
      %dma_wait3A_52 = arith.constant 0 : i32
      %dma_wait3A_53 = arith.constant 0 : i32
      %dma_wait3A_54 = tpu.memref_slice %arg5[%arg1, %dma_wait3A_52, %dma_wait3A_53] : memref<16x50x128xi32, #tpu.memory_space<hbm>> -> memref<1x50x128xi32, #tpu.memory_space<hbm>>
      %dma_wait3A_55 = tpu.memref_squeeze %dma_wait3A_54 : memref<1x50x128xi32, #tpu.memory_space<hbm>> -> memref<50x128xi32, #tpu.memory_space<hbm>>
      %dma_wait3A_56 = arith.constant 0 : i32
      %dma_wait3A_57 = arith.constant 0 : i32
      %dma_wait3A_58 = tpu.memref_slice %arg5[%arg1, %dma_wait3A_56, %dma_wait3A_57] : memref<16x50x128xi32, #tpu.memory_space<hbm>> -> memref<1x50x128xi32, #tpu.memory_space<hbm>>
      %dma_wait3A_59 = tpu.memref_squeeze %dma_wait3A_58 : memref<1x50x128xi32, #tpu.memory_space<hbm>> -> memref<50x128xi32, #tpu.memory_space<hbm>>
      tpu.wait_dma2 semaphore(%run_scoped3A : memref<!tpu.dma_semaphore, #tpu.memory_space<semaphore_mem>>) src(%dma_wait3A_59 : memref<50x128xi32, #tpu.memory_space<hbm>>) dst(%arg12 : memref<50x128xi32, #tpu.memory_space<vmem>>)
      tpu.yield
    }) : () -> ()
    "tpu.region"() ({
      %run_scoped3A = tpu.sem_alloc : memref<!tpu.dma_semaphore, #tpu.memory_space<semaphore_mem>>
      %dma_start3A_44 = arith.constant 0 : i32
      %dma_start3A_45 = arith.constant 0 : i32
      %dma_start3A_46 = tpu.memref_slice %arg2[%add3A, %dma_start3A_44, %dma_start3A_45] : memref<32x50x128xi32, #tpu.memory_space<hbm>> -> memref<1x50x128xi32, #tpu.memory_space<hbm>>
      %dma_start3A_47 = tpu.memref_squeeze %dma_start3A_46 : memref<1x50x128xi32, #tpu.memory_space<hbm>> -> memref<50x128xi32, #tpu.memory_space<hbm>>
      %dma_start3A_48 = arith.constant 0 : i32
      %dma_start3A_49 = arith.constant 0 : i32
      %dma_start3A_50 = tpu.memref_slice %arg2[%add3A, %dma_start3A_48, %dma_start3A_49] : memref<32x50x128xi32, #tpu.memory_space<hbm>> -> memref<1x50x128xi32, #tpu.memory_space<hbm>>
      %dma_start3A_51 = tpu.memref_squeeze %dma_start3A_50 : memref<1x50x128xi32, #tpu.memory_space<hbm>> -> memref<50x128xi32, #tpu.memory_space<hbm>>
      tpu.enqueue_dma source(%dma_start3A_51 : memref<50x128xi32, #tpu.memory_space<hbm>>) target(%arg11 : memref<50x128xi32, #tpu.memory_space<vmem>>) target_semaphore(%run_scoped3A : memref<!tpu.dma_semaphore, #tpu.memory_space<semaphore_mem>>)
      %dma_wait3A_52 = arith.constant 0 : i32
      %dma_wait3A_53 = arith.constant 0 : i32
      %dma_wait3A_54 = tpu.memref_slice %arg2[%add3A, %dma_wait3A_52, %dma_wait3A_53] : memref<32x50x128xi32, #tpu.memory_space<hbm>> -> memref<1x50x128xi32, #tpu.memory_space<hbm>>
      %dma_wait3A_55 = tpu.memref_squeeze %dma_wait3A_54 : memref<1x50x128xi32, #tpu.memory_space<hbm>> -> memref<50x128xi32, #tpu.memory_space<hbm>>
      %dma_wait3A_56 = arith.constant 0 : i32
      %dma_wait3A_57 = arith.constant 0 : i32
      %dma_wait3A_58 = tpu.memref_slice %arg2[%add3A, %dma_wait3A_56, %dma_wait3A_57] : memref<32x50x128xi32, #tpu.memory_space<hbm>> -> memref<1x50x128xi32, #tpu.memory_space<hbm>>
      %dma_wait3A_59 = tpu.memref_squeeze %dma_wait3A_58 : memref<1x50x128xi32, #tpu.memory_space<hbm>> -> memref<50x128xi32, #tpu.memory_space<hbm>>
      tpu.wait_dma2 semaphore(%run_scoped3A : memref<!tpu.dma_semaphore, #tpu.memory_space<semaphore_mem>>) src(%dma_wait3A_59 : memref<50x128xi32, #tpu.memory_space<hbm>>) dst(%arg11 : memref<50x128xi32, #tpu.memory_space<vmem>>)
      tpu.yield
    }) : () -> ()
    %mul3A_9 = arith.constant 128 : i32
    %mul3A_10 = arith.muli %arg1, %mul3A_9 : i32
    "tpu.region"() ({
      %run_scoped3A = tpu.sem_alloc : memref<!tpu.dma_semaphore, #tpu.memory_space<semaphore_mem>>
      %dma_start3A_44 = arith.constant 0 : i32
      %dma_start3A_45 = tpu.memref_slice %arg16[%mul3A_10, %dma_start3A_44] : memref<2048x128xf32, #tpu.memory_space<vmem_shared>> -> memref<128x128xf32, #tpu.memory_space<vmem_shared>>
      tpu.enqueue_dma source(%arg6 : memref<128x128xf32, #tpu.memory_space<hbm>>) target(%dma_start3A_45 : memref<128x128xf32, #tpu.memory_space<vmem_shared>>) target_semaphore(%run_scoped3A : memref<!tpu.dma_semaphore, #tpu.memory_space<semaphore_mem>>)
      %dma_wait3A_46 = arith.constant 0 : i32
      %dma_wait3A_47 = tpu.memref_slice %arg16[%mul3A_10, %dma_wait3A_46] : memref<2048x128xf32, #tpu.memory_space<vmem_shared>> -> memref<128x128xf32, #tpu.memory_space<vmem_shared>>
      tpu.wait_dma2 semaphore(%run_scoped3A : memref<!tpu.dma_semaphore, #tpu.memory_space<semaphore_mem>>) src(%arg6 : memref<128x128xf32, #tpu.memory_space<hbm>>) dst(%dma_wait3A_47 : memref<128x128xf32, #tpu.memory_space<vmem_shared>>)
      tpu.yield
    }) : () -> ()
    %dma_start3A = arith.constant 0 : i32
    %dma_start3A_11 = arith.constant 0 : i32
    %dma_start3A_12 = arith.constant 0 : i32
    %dma_start3A_13 = tpu.memref_slice %arg15[%dma_start3A_11, %dma_start3A_12] : memref<256x128xf32, #tpu.memory_space<vmem>> -> memref<128x128xf32, #tpu.memory_space<vmem>>
    %dma_start3A_14 = arith.constant 0 : i32
    %dma_start3A_15 = tpu.memref_slice %arg11[%dma_start3A, %dma_start3A_14] : memref<50x128xi32, #tpu.memory_space<vmem>> -> memref<1x128xi32, #tpu.memory_space<vmem>>
    %dma_start3A_16 = tpu.memref_squeeze %dma_start3A_15 : memref<1x128xi32, #tpu.memory_space<vmem>> -> memref<128xi32, #tpu.memory_space<vmem>>
    %dma_start3A_17 = arith.constant 0 : i32
    %dma_start3A_18 = arith.constant 0 : i32
    %dma_start3A_19 = tpu.memref_slice %arg4[%dma_start3A_17, %dma_start3A_18] : memref<100000x128xf32, #tpu.memory_space<hbm>> -> memref<100000x128xf32, #tpu.memory_space<hbm>>
    tpu.enqueue_indirect_dma source(%dma_start3A_19 : memref<100000x128xf32, #tpu.memory_space<hbm>>) target(%dma_start3A_13 : memref<128x128xf32, #tpu.memory_space<vmem>>) offsets(%dma_start3A_16 : memref<128xi32, #tpu.memory_space<vmem>>) semaphore(%arg17 : memref<!tpu.dma_semaphore, #tpu.memory_space<semaphore_mem>>)
    %scan3A = arith.constant 0 : i32
    %scan3A_20 = arith.constant 0 : i32
    %scan3A_21 = arith.constant 50 : i32
    %scan3A_22 = arith.addi %scan3A_20, %scan3A_21 : i32
    %scan3A_23 = arith.constant 1 : i32
    scf.for %scan3A_44 = %scan3A_20 to %scan3A_22 step %scan3A_23  : i32 {
      %rem3A = arith.constant 2 : i32
      %rem3A_45 = arith.remsi %scan3A_44, %rem3A : i32
      %mul3A_46 = arith.constant 128 : i32
      %mul3A_47 = arith.muli %rem3A_45, %mul3A_46 : i32
      %dma_wait3A_48 = arith.constant 0 : i32
      %dma_wait3A_49 = tpu.memref_slice %arg15[%mul3A_47, %dma_wait3A_48] : memref<256x128xf32, #tpu.memory_space<vmem>> -> memref<128x128xf32, #tpu.memory_space<vmem>>
      %dma_wait3A_50 = arith.constant 0 : i32
      %dma_wait3A_51 = tpu.memref_slice %arg11[%scan3A_44, %dma_wait3A_50] : memref<50x128xi32, #tpu.memory_space<vmem>> -> memref<1x128xi32, #tpu.memory_space<vmem>>
      %dma_wait3A_52 = tpu.memref_squeeze %dma_wait3A_51 : memref<1x128xi32, #tpu.memory_space<vmem>> -> memref<128xi32, #tpu.memory_space<vmem>>
      %dma_wait3A_53 = arith.constant 0 : i32
      %dma_wait3A_54 = arith.constant 0 : i32
      %dma_wait3A_55 = tpu.memref_slice %arg4[%dma_wait3A_53, %dma_wait3A_54] : memref<100000x128xf32, #tpu.memory_space<hbm>> -> memref<100000x128xf32, #tpu.memory_space<hbm>>
      tpu.wait_indirect_dma semaphore(%arg17 : memref<!tpu.dma_semaphore, #tpu.memory_space<semaphore_mem>>) src(%dma_wait3A_55 : memref<100000x128xf32, #tpu.memory_space<hbm>>) dst(%dma_wait3A_49 : memref<128x128xf32, #tpu.memory_space<vmem>>)
      %ge3A = arith.constant 1 : i32
      %ge3A_56 = arith.cmpi sge, %scan3A_44, %ge3A : i32
      %convert_element_type3A = arith.extui %ge3A_56 : i1 to i32
      %cond3A = arith.constant 0 : i32
      %cond3A_57 = arith.cmpi ne, %convert_element_type3A, %cond3A : i32
      scf.if %cond3A_57 {
        %dma_wait3A_88 = arith.constant 0 : i32
        %dma_wait3A_89 = tpu.memref_slice %arg15[%mul3A_47, %dma_wait3A_88] : memref<256x128xf32, #tpu.memory_space<vmem>> -> memref<128x128xf32, #tpu.memory_space<vmem>>
        %dma_wait3A_90 = arith.constant 0 : i32
        %dma_wait3A_91 = tpu.memref_slice %arg12[%scan3A_44, %dma_wait3A_90] : memref<50x128xi32, #tpu.memory_space<vmem>> -> memref<1x128xi32, #tpu.memory_space<vmem>>
        %dma_wait3A_92 = tpu.memref_squeeze %dma_wait3A_91 : memref<1x128xi32, #tpu.memory_space<vmem>> -> memref<128xi32, #tpu.memory_space<vmem>>
        %dma_wait3A_93 = arith.constant 0 : i32
        %dma_wait3A_94 = arith.constant 0 : i32
        %dma_wait3A_95 = tpu.memref_slice %arg16[%dma_wait3A_93, %dma_wait3A_94] : memref<2048x128xf32, #tpu.memory_space<vmem_shared>> -> memref<2048x128xf32, #tpu.memory_space<vmem_shared>>
        tpu.wait_indirect_dma semaphore(%arg19 : memref<!tpu.dma_semaphore, #tpu.memory_space<semaphore_mem>>) src(%dma_wait3A_89 : memref<128x128xf32, #tpu.memory_space<vmem>>) dst(%dma_wait3A_95 : memref<2048x128xf32, #tpu.memory_space<vmem_shared>>)
      } else {
      }
      %le3A = arith.constant 48 : i32
      %le3A_58 = arith.cmpi sle, %scan3A_44, %le3A : i32
      %convert_element_type3A_59 = arith.extui %le3A_58 : i1 to i32
      %cond3A_60 = arith.constant 0 : i32
      %cond3A_61 = arith.cmpi ne, %convert_element_type3A_59, %cond3A_60 : i32
      scf.if %cond3A_61 {
        %sub3A = arith.constant 128 : i32
        %sub3A_88 = arith.subi %sub3A, %mul3A_47 : i32
        %add3A_89 = arith.constant 1 : i32
        %add3A_90 = arith.addi %scan3A_44, %add3A_89 : i32
        %dma_start3A_91 = arith.constant 0 : i32
        %dma_start3A_92 = tpu.memref_slice %arg15[%sub3A_88, %dma_start3A_91] : memref<256x128xf32, #tpu.memory_space<vmem>> -> memref<128x128xf32, #tpu.memory_space<vmem>>
        %dma_start3A_93 = arith.constant 0 : i32
        %dma_start3A_94 = tpu.memref_slice %arg11[%add3A_90, %dma_start3A_93] : memref<50x128xi32, #tpu.memory_space<vmem>> -> memref<1x128xi32, #tpu.memory_space<vmem>>
        %dma_start3A_95 = tpu.memref_squeeze %dma_start3A_94 : memref<1x128xi32, #tpu.memory_space<vmem>> -> memref<128xi32, #tpu.memory_space<vmem>>
        %dma_start3A_96 = arith.constant 0 : i32
        %dma_start3A_97 = arith.constant 0 : i32
        %dma_start3A_98 = tpu.memref_slice %arg4[%dma_start3A_96, %dma_start3A_97] : memref<100000x128xf32, #tpu.memory_space<hbm>> -> memref<100000x128xf32, #tpu.memory_space<hbm>>
        tpu.enqueue_indirect_dma source(%dma_start3A_98 : memref<100000x128xf32, #tpu.memory_space<hbm>>) target(%dma_start3A_92 : memref<128x128xf32, #tpu.memory_space<vmem>>) offsets(%dma_start3A_95 : memref<128xi32, #tpu.memory_space<vmem>>) semaphore(%arg17 : memref<!tpu.dma_semaphore, #tpu.memory_space<semaphore_mem>>)
      } else {
      }
      %dma_start3A_62 = arith.constant 0 : i32
      %dma_start3A_63 = tpu.memref_slice %arg15[%mul3A_47, %dma_start3A_62] : memref<256x128xf32, #tpu.memory_space<vmem>> -> memref<128x128xf32, #tpu.memory_space<vmem>>
      %dma_start3A_64 = arith.constant 0 : i32
      %dma_start3A_65 = tpu.memref_slice %arg12[%scan3A_44, %dma_start3A_64] : memref<50x128xi32, #tpu.memory_space<vmem>> -> memref<1x128xi32, #tpu.memory_space<vmem>>
      %dma_start3A_66 = tpu.memref_squeeze %dma_start3A_65 : memref<1x128xi32, #tpu.memory_space<vmem>> -> memref<128xi32, #tpu.memory_space<vmem>>
      %dma_start3A_67 = arith.constant 0 : i32
      %dma_start3A_68 = arith.constant 0 : i32
      %dma_start3A_69 = tpu.memref_slice %arg16[%dma_start3A_67, %dma_start3A_68] : memref<2048x128xf32, #tpu.memory_space<vmem_shared>> -> memref<2048x128xf32, #tpu.memory_space<vmem_shared>>
      tpu.enqueue_indirect_dma source(%dma_start3A_63 : memref<128x128xf32, #tpu.memory_space<vmem>>) target(%dma_start3A_69 : memref<2048x128xf32, #tpu.memory_space<vmem_shared>>) offsets(%dma_start3A_66 : memref<128xi32, #tpu.memory_space<vmem>>) semaphore(%arg19 : memref<!tpu.dma_semaphore, #tpu.memory_space<semaphore_mem>>) {add = true}
      %rem3A_70 = arith.constant 5 : i32
      %rem3A_71 = arith.remsi %scan3A_44, %rem3A_70 : i32
      %eq3A = arith.constant 3 : i32
      %eq3A_72 = arith.cmpi eq, %rem3A_71, %eq3A : i32
      %lt3A = arith.constant 40 : i32
      %lt3A_73 = arith.cmpi slt, %scan3A_44, %lt3A : i32
      %and3A = arith.andi %eq3A_72, %lt3A_73 : i1
      %convert_element_type3A_74 = arith.extui %and3A : i1 to i32
      %cond3A_75 = arith.constant 0 : i32
      %cond3A_76 = arith.cmpi ne, %convert_element_type3A_74, %cond3A_75 : i32
      scf.if %cond3A_76 {
        %ge3A_88 = arith.constant 8 : i32
        %ge3A_89 = arith.cmpi sge, %scan3A_44, %ge3A_88 : i32
        %convert_element_type3A_90 = arith.extui %ge3A_89 : i1 to i32
        %cond3A_91 = arith.constant 0 : i32
        %cond3A_92 = arith.cmpi ne, %convert_element_type3A_90, %cond3A_91 : i32
        scf.if %cond3A_92 {
          %dma_wait3A_93 = arith.constant 0 : i32
          %dma_wait3A_94 = arith.constant 0 : i32
          %dma_wait3A_95 = tpu.memref_slice %arg8[%dma_wait3A_93, %dma_wait3A_94] : memref<4096x1024xf32, #tpu.memory_space<hbm>> -> memref<32x1024xf32, #tpu.memory_space<hbm>>
          %dma_wait3A_96 = arith.constant 0 : i32
          %dma_wait3A_97 = arith.constant 0 : i32
          %dma_wait3A_98 = tpu.memref_slice %arg8[%dma_wait3A_96, %dma_wait3A_97] : memref<4096x1024xf32, #tpu.memory_space<hbm>> -> memref<32x1024xf32, #tpu.memory_space<hbm>>
          tpu.wait_dma2 semaphore(%arg22 : memref<!tpu.dma_semaphore, #tpu.memory_space<semaphore_mem>>) src(%arg14 : memref<32x1024xf32, #tpu.memory_space<vmem>>) dst(%dma_wait3A_98 : memref<32x1024xf32, #tpu.memory_space<hbm>>)
        } else {
        }
        tpu.enqueue_dma source(%arg7 : memref<32x1024xf32, #tpu.memory_space<hbm>>) target(%arg14 : memref<32x1024xf32, #tpu.memory_space<vmem>>) target_semaphore(%arg21 : memref<!tpu.dma_semaphore, #tpu.memory_space<semaphore_mem>>)
      } else {
      }
      %eq3A_77 = arith.constant 0 : i32
      %eq3A_78 = arith.cmpi eq, %rem3A_71, %eq3A_77 : i32
      %ge3A_79 = arith.constant 5 : i32
      %ge3A_80 = arith.cmpi sge, %scan3A_44, %ge3A_79 : i32
      %le3A_81 = arith.constant 40 : i32
      %le3A_82 = arith.cmpi sle, %scan3A_44, %le3A_81 : i32
      %and3A_83 = arith.andi %ge3A_80, %le3A_82 : i1
      %and3A_84 = arith.andi %eq3A_78, %and3A_83 : i1
      %convert_element_type3A_85 = arith.extui %and3A_84 : i1 to i32
      %cond3A_86 = arith.constant 0 : i32
      %cond3A_87 = arith.cmpi ne, %convert_element_type3A_85, %cond3A_86 : i32
      scf.if %cond3A_87 {
        %jit3A = arith.constant 5 : i32
        %div3A = arith.divsi %scan3A_44, %jit3A : i32
        %sign3A = arith.constant 0 : i32
        %sign3A_88 = arith.cmpi sgt, %scan3A_44, %sign3A : i32
        %sign3A_89 = arith.extui %sign3A_88 : i1 to i32
        %sign3A_90 = arith.constant 0 : i32
        %sign3A_91 = arith.cmpi slt, %scan3A_44, %sign3A_90 : i32
        %sign3A_92 = arith.extui %sign3A_91 : i1 to i32
        %sign3A_93 = arith.subi %sign3A_89, %sign3A_92 : i32
        %sign3A_94 = arith.constant 0 : i32
        %sign3A_95 = arith.cmpi sgt, %jit3A, %sign3A_94 : i32
        %sign3A_96 = arith.extui %sign3A_95 : i1 to i32
        %sign3A_97 = arith.constant 0 : i32
        %sign3A_98 = arith.cmpi slt, %jit3A, %sign3A_97 : i32
        %sign3A_99 = arith.extui %sign3A_98 : i1 to i32
        %sign3A_100 = arith.subi %sign3A_96, %sign3A_99 : i32
        %ne3A = arith.cmpi ne, %sign3A_93, %sign3A_100 : i32
        %rem3A_101 = arith.remsi %scan3A_44, %jit3A : i32
        %ne3A_102 = arith.constant 0 : i32
        %ne3A_103 = arith.cmpi ne, %rem3A_101, %ne3A_102 : i32
        %and3A_104 = arith.andi %ne3A, %ne3A_103 : i1
        %sub3A = arith.constant 1 : i32
        %sub3A_105 = arith.subi %div3A, %sub3A : i32
        %select_n3A = arith.select %and3A_104, %sub3A_105, %div3A : i32
        %sub3A_106 = arith.constant 1 : i32
        %sub3A_107 = arith.subi %select_n3A, %sub3A_106 : i32
        %jit3A_108 = arith.constant 4 : i32
        %div3A_109 = arith.divsi %sub3A_107, %jit3A_108 : i32
        %sign3A_110 = arith.constant 0 : i32
        %sign3A_111 = arith.cmpi sgt, %sub3A_107, %sign3A_110 : i32
        %sign3A_112 = arith.extui %sign3A_111 : i1 to i32
        %sign3A_113 = arith.constant 0 : i32
        %sign3A_114 = arith.cmpi slt, %sub3A_107, %sign3A_113 : i32
        %sign3A_115 = arith.extui %sign3A_114 : i1 to i32
        %sign3A_116 = arith.subi %sign3A_112, %sign3A_115 : i32
        %sign3A_117 = arith.constant 0 : i32
        %sign3A_118 = arith.cmpi sgt, %jit3A_108, %sign3A_117 : i32
        %sign3A_119 = arith.extui %sign3A_118 : i1 to i32
        %sign3A_120 = arith.constant 0 : i32
        %sign3A_121 = arith.cmpi slt, %jit3A_108, %sign3A_120 : i32
        %sign3A_122 = arith.extui %sign3A_121 : i1 to i32
        %sign3A_123 = arith.subi %sign3A_119, %sign3A_122 : i32
        %ne3A_124 = arith.cmpi ne, %sign3A_116, %sign3A_123 : i32
        %rem3A_125 = arith.remsi %sub3A_107, %jit3A_108 : i32
        %ne3A_126 = arith.constant 0 : i32
        %ne3A_127 = arith.cmpi ne, %rem3A_125, %ne3A_126 : i32
        %and3A_128 = arith.andi %ne3A_124, %ne3A_127 : i1
        %sub3A_129 = arith.constant 1 : i32
        %sub3A_130 = arith.subi %div3A_109, %sub3A_129 : i32
        %select_n3A_131 = arith.select %and3A_128, %sub3A_130, %div3A_109 : i32
        %rem3A_132 = arith.constant 4 : i32
        %rem3A_133 = arith.remsi %sub3A_107, %rem3A_132 : i32
        tpu.wait_dma2 semaphore(%arg21 : memref<!tpu.dma_semaphore, #tpu.memory_space<semaphore_mem>>) src(%arg7 : memref<32x1024xf32, #tpu.memory_space<hbm>>) dst(%arg14 : memref<32x1024xf32, #tpu.memory_space<vmem>>)
        "tpu.region"() ({
          %run_scoped3A = tpu.sem_alloc : memref<!tpu.dma_semaphore, #tpu.memory_space<semaphore_mem>>
          %dma_start3A_170 = arith.constant 0 : i32
          %dma_start3A_171 = arith.constant 0 : i32
          %dma_start3A_172 = arith.constant 0 : i32
          %dma_start3A_173 = arith.constant 0 : i32
          %dma_start3A_174 = tpu.memref_slice %arg3[%select_n3A_131, %dma_start3A_170, %dma_start3A_171, %dma_start3A_172, %dma_start3A_173] : memref<2x32x4x13x128xi32, #tpu.memory_space<hbm>> -> memref<1x32x4x13x128xi32, #tpu.memory_space<hbm>>
          %dma_start3A_175 = tpu.memref_squeeze %dma_start3A_174 : memref<1x32x4x13x128xi32, #tpu.memory_space<hbm>> -> memref<32x4x13x128xi32, #tpu.memory_space<hbm>>
          %dma_start3A_176 = arith.constant 0 : i32
          %dma_start3A_177 = arith.constant 0 : i32
          %dma_start3A_178 = arith.constant 0 : i32
          %dma_start3A_179 = tpu.memref_slice %dma_start3A_175[%add3A, %dma_start3A_176, %dma_start3A_177, %dma_start3A_178] : memref<32x4x13x128xi32, #tpu.memory_space<hbm>> -> memref<1x4x13x128xi32, #tpu.memory_space<hbm>>
          %dma_start3A_180 = tpu.memref_squeeze %dma_start3A_179 : memref<1x4x13x128xi32, #tpu.memory_space<hbm>> -> memref<4x13x128xi32, #tpu.memory_space<hbm>>
          %dma_start3A_181 = arith.constant 0 : i32
          %dma_start3A_182 = arith.constant 0 : i32
          %dma_start3A_183 = tpu.memref_slice %dma_start3A_180[%rem3A_133, %dma_start3A_181, %dma_start3A_182] : memref<4x13x128xi32, #tpu.memory_space<hbm>> -> memref<1x13x128xi32, #tpu.memory_space<hbm>>
          %dma_start3A_184 = tpu.memref_squeeze %dma_start3A_183 : memref<1x13x128xi32, #tpu.memory_space<hbm>> -> memref<13x128xi32, #tpu.memory_space<hbm>>
          %dma_start3A_185 = arith.constant 0 : i32
          %dma_start3A_186 = arith.constant 0 : i32
          %dma_start3A_187 = arith.constant 0 : i32
          %dma_start3A_188 = arith.constant 0 : i32
          %dma_start3A_189 = tpu.memref_slice %arg3[%select_n3A_131, %dma_start3A_185, %dma_start3A_186, %dma_start3A_187, %dma_start3A_188] : memref<2x32x4x13x128xi32, #tpu.memory_space<hbm>> -> memref<1x32x4x13x128xi32, #tpu.memory_space<hbm>>
          %dma_start3A_190 = tpu.memref_squeeze %dma_start3A_189 : memref<1x32x4x13x128xi32, #tpu.memory_space<hbm>> -> memref<32x4x13x128xi32, #tpu.memory_space<hbm>>
          %dma_start3A_191 = arith.constant 0 : i32
          %dma_start3A_192 = arith.constant 0 : i32
          %dma_start3A_193 = arith.constant 0 : i32
          %dma_start3A_194 = tpu.memref_slice %dma_start3A_190[%add3A, %dma_start3A_191, %dma_start3A_192, %dma_start3A_193] : memref<32x4x13x128xi32, #tpu.memory_space<hbm>> -> memref<1x4x13x128xi32, #tpu.memory_space<hbm>>
          %dma_start3A_195 = tpu.memref_squeeze %dma_start3A_194 : memref<1x4x13x128xi32, #tpu.memory_space<hbm>> -> memref<4x13x128xi32, #tpu.memory_space<hbm>>
          %dma_start3A_196 = arith.constant 0 : i32
          %dma_start3A_197 = arith.constant 0 : i32
          %dma_start3A_198 = tpu.memref_slice %dma_start3A_195[%rem3A_133, %dma_start3A_196, %dma_start3A_197] : memref<4x13x128xi32, #tpu.memory_space<hbm>> -> memref<1x13x128xi32, #tpu.memory_space<hbm>>
          %dma_start3A_199 = tpu.memref_squeeze %dma_start3A_198 : memref<1x13x128xi32, #tpu.memory_space<hbm>> -> memref<13x128xi32, #tpu.memory_space<hbm>>
          tpu.enqueue_dma source(%dma_start3A_199 : memref<13x128xi32, #tpu.memory_space<hbm>>) target(%arg13 : memref<13x128xi32, #tpu.memory_space<vmem>>) target_semaphore(%run_scoped3A : memref<!tpu.dma_semaphore, #tpu.memory_space<semaphore_mem>>)
          %dma_wait3A_200 = arith.constant 0 : i32
          %dma_wait3A_201 = arith.constant 0 : i32
          %dma_wait3A_202 = arith.constant 0 : i32
          %dma_wait3A_203 = arith.constant 0 : i32
          %dma_wait3A_204 = tpu.memref_slice %arg3[%select_n3A_131, %dma_wait3A_200, %dma_wait3A_201, %dma_wait3A_202, %dma_wait3A_203] : memref<2x32x4x13x128xi32, #tpu.memory_space<hbm>> -> memref<1x32x4x13x128xi32, #tpu.memory_space<hbm>>
          %dma_wait3A_205 = tpu.memref_squeeze %dma_wait3A_204 : memref<1x32x4x13x128xi32, #tpu.memory_space<hbm>> -> memref<32x4x13x128xi32, #tpu.memory_space<hbm>>
          %dma_wait3A_206 = arith.constant 0 : i32
          %dma_wait3A_207 = arith.constant 0 : i32
          %dma_wait3A_208 = arith.constant 0 : i32
          %dma_wait3A_209 = tpu.memref_slice %dma_wait3A_205[%add3A, %dma_wait3A_206, %dma_wait3A_207, %dma_wait3A_208] : memref<32x4x13x128xi32, #tpu.memory_space<hbm>> -> memref<1x4x13x128xi32, #tpu.memory_space<hbm>>
          %dma_wait3A_210 = tpu.memref_squeeze %dma_wait3A_209 : memref<1x4x13x128xi32, #tpu.memory_space<hbm>> -> memref<4x13x128xi32, #tpu.memory_space<hbm>>
          %dma_wait3A_211 = arith.constant 0 : i32
          %dma_wait3A_212 = arith.constant 0 : i32
          %dma_wait3A_213 = tpu.memref_slice %dma_wait3A_210[%rem3A_133, %dma_wait3A_211, %dma_wait3A_212] : memref<4x13x128xi32, #tpu.memory_space<hbm>> -> memref<1x13x128xi32, #tpu.memory_space<hbm>>
          %dma_wait3A_214 = tpu.memref_squeeze %dma_wait3A_213 : memref<1x13x128xi32, #tpu.memory_space<hbm>> -> memref<13x128xi32, #tpu.memory_space<hbm>>
          %dma_wait3A_215 = arith.constant 0 : i32
          %dma_wait3A_216 = arith.constant 0 : i32
          %dma_wait3A_217 = arith.constant 0 : i32
          %dma_wait3A_218 = arith.constant 0 : i32
          %dma_wait3A_219 = tpu.memref_slice %arg3[%select_n3A_131, %dma_wait3A_215, %dma_wait3A_216, %dma_wait3A_217, %dma_wait3A_218] : memref<2x32x4x13x128xi32, #tpu.memory_space<hbm>> -> memref<1x32x4x13x128xi32, #tpu.memory_space<hbm>>
          %dma_wait3A_220 = tpu.memref_squeeze %dma_wait3A_219 : memref<1x32x4x13x128xi32, #tpu.memory_space<hbm>> -> memref<32x4x13x128xi32, #tpu.memory_space<hbm>>
          %dma_wait3A_221 = arith.constant 0 : i32
          %dma_wait3A_222 = arith.constant 0 : i32
          %dma_wait3A_223 = arith.constant 0 : i32
          %dma_wait3A_224 = tpu.memref_slice %dma_wait3A_220[%add3A, %dma_wait3A_221, %dma_wait3A_222, %dma_wait3A_223] : memref<32x4x13x128xi32, #tpu.memory_space<hbm>> -> memref<1x4x13x128xi32, #tpu.memory_space<hbm>>
          %dma_wait3A_225 = tpu.memref_squeeze %dma_wait3A_224 : memref<1x4x13x128xi32, #tpu.memory_space<hbm>> -> memref<4x13x128xi32, #tpu.memory_space<hbm>>
          %dma_wait3A_226 = arith.constant 0 : i32
          %dma_wait3A_227 = arith.constant 0 : i32
          %dma_wait3A_228 = tpu.memref_slice %dma_wait3A_225[%rem3A_133, %dma_wait3A_226, %dma_wait3A_227] : memref<4x13x128xi32, #tpu.memory_space<hbm>> -> memref<1x13x128xi32, #tpu.memory_space<hbm>>
          %dma_wait3A_229 = tpu.memref_squeeze %dma_wait3A_228 : memref<1x13x128xi32, #tpu.memory_space<hbm>> -> memref<13x128xi32, #tpu.memory_space<hbm>>
          tpu.wait_dma2 semaphore(%run_scoped3A : memref<!tpu.dma_semaphore, #tpu.memory_space<semaphore_mem>>) src(%dma_wait3A_229 : memref<13x128xi32, #tpu.memory_space<hbm>>) dst(%arg13 : memref<13x128xi32, #tpu.memory_space<vmem>>)
          tpu.yield
        }) : () -> ()
        %scan3A_134 = arith.constant 0 : i32
        %scan3A_135 = arith.constant 0 : i32
        %scan3A_136 = arith.constant 12 : i32
        %scan3A_137 = arith.addi %scan3A_135, %scan3A_136 : i32
        %scan3A_138 = arith.constant 1 : i32
        scf.for %scan3A_170 = %scan3A_135 to %scan3A_137 step %scan3A_138  : i32 {
          %get3A_171 = arith.index_cast %scan3A_170 : i32 to index
          %get3A_172 = arith.constant 0 : index
          %get3A_173 = tpu.vector_load %arg13[%get3A_171, %get3A_172] {strides = array<i32>} : memref<13x128xi32, #tpu.memory_space<vmem>>, vector<16xi32>,
          tpu.vector_store_idx %arg14[%add3A_4, %get3A_173], %broadcast_in_dim3A_1 {add = true} : memref<32x1024xf32, #tpu.memory_space<vmem>>[vector<16xi32>, vector<16xi32>], vector<16xf32>,
          %get3A_174 = arith.index_cast %scan3A_170 : i32 to index
          %get3A_175 = arith.constant 16 : index
          %get3A_176 = tpu.vector_load %arg13[%get3A_174, %get3A_175] {strides = array<i32>} : memref<13x128xi32, #tpu.memory_space<vmem>>, vector<16xi32>,
          tpu.vector_store_idx %arg14[%add3A_8, %get3A_176], %broadcast_in_dim3A_1 {add = true} : memref<32x1024xf32, #tpu.memory_space<vmem>>[vector<16xi32>, vector<16xi32>], vector<16xf32>,
          %get3A_177 = arith.index_cast %scan3A_170 : i32 to index
          %get3A_178 = arith.constant 32 : index
          %get3A_179 = tpu.vector_load %arg13[%get3A_177, %get3A_178] {strides = array<i32>} : memref<13x128xi32, #tpu.memory_space<vmem>>, vector<16xi32>,
          tpu.vector_store_idx %arg14[%add3A_4, %get3A_179], %broadcast_in_dim3A_1 {add = true} : memref<32x1024xf32, #tpu.memory_space<vmem>>[vector<16xi32>, vector<16xi32>], vector<16xf32>,
          %get3A_180 = arith.index_cast %scan3A_170 : i32 to index
          %get3A_181 = arith.constant 48 : index
          %get3A_182 = tpu.vector_load %arg13[%get3A_180, %get3A_181] {strides = array<i32>} : memref<13x128xi32, #tpu.memory_space<vmem>>, vector<16xi32>,
          tpu.vector_store_idx %arg14[%add3A_8, %get3A_182], %broadcast_in_dim3A_1 {add = true} : memref<32x1024xf32, #tpu.memory_space<vmem>>[vector<16xi32>, vector<16xi32>], vector<16xf32>,
          %get3A_183 = arith.index_cast %scan3A_170 : i32 to index
          %get3A_184 = arith.constant 64 : index
          %get3A_185 = tpu.vector_load %arg13[%get3A_183, %get3A_184] {strides = array<i32>} : memref<13x128xi32, #tpu.memory_space<vmem>>, vector<16xi32>,
          tpu.vector_store_idx %arg14[%add3A_4, %get3A_185], %broadcast_in_dim3A_1 {add = true} : memref<32x1024xf32, #tpu.memory_space<vmem>>[vector<16xi32>, vector<16xi32>], vector<16xf32>,
          %get3A_186 = arith.index_cast %scan3A_170 : i32 to index
          %get3A_187 = arith.constant 80 : index
          %get3A_188 = tpu.vector_load %arg13[%get3A_186, %get3A_187] {strides = array<i32>} : memref<13x128xi32, #tpu.memory_space<vmem>>, vector<16xi32>,
          tpu.vector_store_idx %arg14[%add3A_8, %get3A_188], %broadcast_in_dim3A_1 {add = true} : memref<32x1024xf32, #tpu.memory_space<vmem>>[vector<16xi32>, vector<16xi32>], vector<16xf32>,
          %get3A_189 = arith.index_cast %scan3A_170 : i32 to index
          %get3A_190 = arith.constant 96 : index
          %get3A_191 = tpu.vector_load %arg13[%get3A_189, %get3A_190] {strides = array<i32>} : memref<13x128xi32, #tpu.memory_space<vmem>>, vector<16xi32>,
          tpu.vector_store_idx %arg14[%add3A_4, %get3A_191], %broadcast_in_dim3A_1 {add = true} : memref<32x1024xf32, #tpu.memory_space<vmem>>[vector<16xi32>, vector<16xi32>], vector<16xf32>,
          %get3A_192 = arith.index_cast %scan3A_170 : i32 to index
          %get3A_193 = arith.constant 112 : index
          %get3A_194 = tpu.vector_load %arg13[%get3A_192, %get3A_193] {strides = array<i32>} : memref<13x128xi32, #tpu.memory_space<vmem>>, vector<16xi32>,
          tpu.vector_store_idx %arg14[%add3A_8, %get3A_194], %broadcast_in_dim3A_1 {add = true} : memref<32x1024xf32, #tpu.memory_space<vmem>>[vector<16xi32>, vector<16xi32>], vector<16xf32>,
        }
        %scan3A_139 = arith.constant 12 : i32
        %get3A = arith.constant 12 : i32
        %get3A_140 = arith.index_cast %get3A : i32 to index
        %get3A_141 = arith.constant 0 : index
        %get3A_142 = tpu.vector_load %arg13[%get3A_140, %get3A_141] {strides = array<i32>} : memref<13x128xi32, #tpu.memory_space<vmem>>, vector<16xi32>,
        tpu.vector_store_idx %arg14[%add3A_4, %get3A_142], %broadcast_in_dim3A_1 {add = true} : memref<32x1024xf32, #tpu.memory_space<vmem>>[vector<16xi32>, vector<16xi32>], vector<16xf32>,
        %get3A_143 = arith.constant 12 : i32
        %get3A_144 = arith.index_cast %get3A_143 : i32 to index
        %get3A_145 = arith.constant 16 : index
        %get3A_146 = tpu.vector_load %arg13[%get3A_144, %get3A_145] {strides = array<i32>} : memref<13x128xi32, #tpu.memory_space<vmem>>, vector<16xi32>,
        tpu.vector_store_idx %arg14[%add3A_8, %get3A_146], %broadcast_in_dim3A_1 {add = true} : memref<32x1024xf32, #tpu.memory_space<vmem>>[vector<16xi32>, vector<16xi32>], vector<16xf32>,
        %get3A_147 = arith.constant 12 : i32
        %get3A_148 = arith.index_cast %get3A_147 : i32 to index
        %get3A_149 = arith.constant 32 : index
        %get3A_150 = tpu.vector_load %arg13[%get3A_148, %get3A_149] {strides = array<i32>} : memref<13x128xi32, #tpu.memory_space<vmem>>, vector<16xi32>,
        tpu.vector_store_idx %arg14[%add3A_4, %get3A_150], %broadcast_in_dim3A_1 {add = true} : memref<32x1024xf32, #tpu.memory_space<vmem>>[vector<16xi32>, vector<16xi32>], vector<16xf32>,
        %get3A_151 = arith.constant 12 : i32
        %get3A_152 = arith.index_cast %get3A_151 : i32 to index
        %get3A_153 = arith.constant 48 : index
        %get3A_154 = tpu.vector_load %arg13[%get3A_152, %get3A_153] {strides = array<i32>} : memref<13x128xi32, #tpu.memory_space<vmem>>, vector<16xi32>,
        tpu.vector_store_idx %arg14[%add3A_8, %get3A_154], %broadcast_in_dim3A_1 {add = true} : memref<32x1024xf32, #tpu.memory_space<vmem>>[vector<16xi32>, vector<16xi32>], vector<16xf32>,
        %mul3A_155 = arith.constant 128 : i32
        %mul3A_156 = arith.muli %add3A, %mul3A_155 : i32
        %mul3A_157 = arith.constant 32 : i32
        %mul3A_158 = arith.muli %rem3A_133, %mul3A_157 : i32
        %add3A_159 = arith.addi %mul3A_156, %mul3A_158 : i32
        %eq3A_160 = arith.constant 0 : i32
        %eq3A_161 = arith.cmpi eq, %select_n3A_131, %eq3A_160 : i32
        %convert_element_type3A_162 = arith.extui %eq3A_161 : i1 to i32
        %cond3A_163 = arith.constant 0 : i32
        %cond3A_164 = arith.cmpi ne, %convert_element_type3A_162, %cond3A_163 : i32
        scf.if %cond3A_164 {
          %dma_start3A_170 = arith.constant 0 : i32
          %dma_start3A_171 = tpu.memref_slice %arg8[%add3A_159, %dma_start3A_170] : memref<4096x1024xf32, #tpu.memory_space<hbm>> -> memref<32x1024xf32, #tpu.memory_space<hbm>>
          %dma_start3A_172 = arith.constant 0 : i32
          %dma_start3A_173 = tpu.memref_slice %arg8[%add3A_159, %dma_start3A_172] : memref<4096x1024xf32, #tpu.memory_space<hbm>> -> memref<32x1024xf32, #tpu.memory_space<hbm>>
          tpu.enqueue_dma source(%arg14 : memref<32x1024xf32, #tpu.memory_space<vmem>>) target(%dma_start3A_173 : memref<32x1024xf32, #tpu.memory_space<hbm>>) target_semaphore(%arg22 : memref<!tpu.dma_semaphore, #tpu.memory_space<semaphore_mem>>)
        } else {
        }
        %eq3A_165 = arith.constant 1 : i32
        %eq3A_166 = arith.cmpi eq, %select_n3A_131, %eq3A_165 : i32
        %convert_element_type3A_167 = arith.extui %eq3A_166 : i1 to i32
        %cond3A_168 = arith.constant 0 : i32
        %cond3A_169 = arith.cmpi ne, %convert_element_type3A_167, %cond3A_168 : i32
        scf.if %cond3A_169 {
          %dma_start3A_170 = arith.constant 0 : i32
          %dma_start3A_171 = tpu.memref_slice %arg9[%add3A_159, %dma_start3A_170] : memref<4096x1024xf32, #tpu.memory_space<hbm>> -> memref<32x1024xf32, #tpu.memory_space<hbm>>
          %dma_start3A_172 = arith.constant 0 : i32
          %dma_start3A_173 = tpu.memref_slice %arg9[%add3A_159, %dma_start3A_172] : memref<4096x1024xf32, #tpu.memory_space<hbm>> -> memref<32x1024xf32, #tpu.memory_space<hbm>>
          tpu.enqueue_dma source(%arg14 : memref<32x1024xf32, #tpu.memory_space<vmem>>) target(%dma_start3A_173 : memref<32x1024xf32, #tpu.memory_space<hbm>>) target_semaphore(%arg22 : memref<!tpu.dma_semaphore, #tpu.memory_space<semaphore_mem>>)
        } else {
        }
      } else {
      }
    }
    %scan3A_24 = arith.constant 50 : i32
    %dma_wait3A = arith.constant 0 : i32
    %dma_wait3A_25 = arith.constant 0 : i32
    %dma_wait3A_26 = arith.constant 0 : i32
    %dma_wait3A_27 = tpu.memref_slice %arg15[%dma_wait3A_25, %dma_wait3A_26] : memref<256x128xf32, #tpu.memory_space<vmem>> -> memref<128x128xf32, #tpu.memory_space<vmem>>
    %dma_wait3A_28 = arith.constant 0 : i32
    %dma_wait3A_29 = tpu.memref_slice %arg12[%dma_wait3A, %dma_wait3A_28] : memref<50x128xi32, #tpu.memory_space<vmem>> -> memref<1x128xi32, #tpu.memory_space<vmem>>
    %dma_wait3A_30 = tpu.memref_squeeze %dma_wait3A_29 : memref<1x128xi32, #tpu.memory_space<vmem>> -> memref<128xi32, #tpu.memory_space<vmem>>
    %dma_wait3A_31 = arith.constant 0 : i32
    %dma_wait3A_32 = arith.constant 0 : i32
    %dma_wait3A_33 = tpu.memref_slice %arg16[%dma_wait3A_31, %dma_wait3A_32] : memref<2048x128xf32, #tpu.memory_space<vmem_shared>> -> memref<2048x128xf32, #tpu.memory_space<vmem_shared>>
    tpu.wait_indirect_dma semaphore(%arg19 : memref<!tpu.dma_semaphore, #tpu.memory_space<semaphore_mem>>) src(%dma_wait3A_27 : memref<128x128xf32, #tpu.memory_space<vmem>>) dst(%dma_wait3A_33 : memref<2048x128xf32, #tpu.memory_space<vmem_shared>>)
    %dma_wait3A_34 = arith.constant 0 : i32
    %dma_wait3A_35 = arith.constant 0 : i32
    %dma_wait3A_36 = tpu.memref_slice %arg8[%dma_wait3A_34, %dma_wait3A_35] : memref<4096x1024xf32, #tpu.memory_space<hbm>> -> memref<32x1024xf32, #tpu.memory_space<hbm>>
    %dma_wait3A_37 = arith.constant 0 : i32
    %dma_wait3A_38 = arith.constant 0 : i32
    %dma_wait3A_39 = tpu.memref_slice %arg8[%dma_wait3A_37, %dma_wait3A_38] : memref<4096x1024xf32, #tpu.memory_space<hbm>> -> memref<32x1024xf32, #tpu.memory_space<hbm>>
    tpu.wait_dma2 semaphore(%arg22 : memref<!tpu.dma_semaphore, #tpu.memory_space<semaphore_mem>>) src(%arg14 : memref<32x1024xf32, #tpu.memory_space<vmem>>) dst(%dma_wait3A_39 : memref<32x1024xf32, #tpu.memory_space<hbm>>)
    %mul3A_40 = arith.constant 128 : i32
    %mul3A_41 = arith.muli %arg1, %mul3A_40 : i32
    %mul3A_42 = arith.constant 128 : i32
    %mul3A_43 = arith.muli %add3A, %mul3A_42 : i32
    "tpu.region"() ({
      %run_scoped3A = tpu.sem_alloc : memref<!tpu.dma_semaphore, #tpu.memory_space<semaphore_mem>>
      %dma_start3A_44 = arith.constant 0 : i32
      %dma_start3A_45 = tpu.memref_slice %arg10[%mul3A_43, %dma_start3A_44] : memref<4096x128xf32, #tpu.memory_space<hbm>> -> memref<128x128xf32, #tpu.memory_space<hbm>>
      %dma_start3A_46 = arith.constant 0 : i32
      %dma_start3A_47 = tpu.memref_slice %arg16[%mul3A_41, %dma_start3A_46] : memref<2048x128xf32, #tpu.memory_space<vmem_shared>> -> memref<128x128xf32, #tpu.memory_space<vmem_shared>>
      tpu.enqueue_dma source(%dma_start3A_47 : memref<128x128xf32, #tpu.memory_space<vmem_shared>>) target(%dma_start3A_45 : memref<128x128xf32, #tpu.memory_space<hbm>>) target_semaphore(%run_scoped3A : memref<!tpu.dma_semaphore, #tpu.memory_space<semaphore_mem>>)
      %dma_wait3A_48 = arith.constant 0 : i32
      %dma_wait3A_49 = tpu.memref_slice %arg10[%mul3A_43, %dma_wait3A_48] : memref<4096x128xf32, #tpu.memory_space<hbm>> -> memref<128x128xf32, #tpu.memory_space<hbm>>
      %dma_wait3A_50 = arith.constant 0 : i32
      %dma_wait3A_51 = tpu.memref_slice %arg16[%mul3A_41, %dma_wait3A_50] : memref<2048x128xf32, #tpu.memory_space<vmem_shared>> -> memref<128x128xf32, #tpu.memory_space<vmem_shared>>
      tpu.wait_dma2 semaphore(%run_scoped3A : memref<!tpu.dma_semaphore, #tpu.memory_space<semaphore_mem>>) src(%dma_wait3A_51 : memref<128x128xf32, #tpu.memory_space<vmem_shared>>) dst(%dma_wait3A_49 : memref<128x128xf32, #tpu.memory_space<hbm>>)
      tpu.yield
    }) : () -> ()
    return
  }
}

module attributes {stable_mosaic.version = 14 : i64} {
  func.func @body(%arg0: i32, %arg1: memref<512x1024xf32, #tpu.memory_space<vmem>>, %arg2: memref<512x1024xf32, #tpu.memory_space<vmem>>, %arg3: memref<512x128xf32, #tpu.memory_space<vmem>>, %arg4: memref<1024x128xf32, #tpu.memory_space<vmem>>, %arg5: memref<1024x128xf32, #tpu.memory_space<vmem>>, %arg6: memref<128x512xf32, #tpu.memory_space<vmem>>, %arg7: memref<128x512xf32, #tpu.memory_space<vmem>>, %arg8: memref<128x512xf32, #tpu.memory_space<vmem>>, %arg9: memref<1x512xf32, #tpu.memory_space<vmem>>, %arg10: memref<512x512xf32, #tpu.memory_space<vmem>>) attributes {dimension_semantics = [#tpu.dimension_semantics<arbitrary>], iteration_bounds = array<i64: 8>, scalar_prefetch = 0 : i64, scratch_operands = 0 : i64, tpu.core_type = #tpu.core_type<tc>, window_params = [{transform_indices = @transform_0, window_bounds = array<i64: 512, 1024>}, {transform_indices = @transform_1, window_bounds = array<i64: 512, 1024>}, {transform_indices = @transform_2, window_bounds = array<i64: 512, 128>}, {pipeline_mode = #tpu.pipeline_mode<synchronous>, transform_indices = @transform_3, window_bounds = array<i64: 1024, 128>}, {pipeline_mode = #tpu.pipeline_mode<synchronous>, transform_indices = @transform_4, window_bounds = array<i64: 1024, 128>}, {pipeline_mode = #tpu.pipeline_mode<synchronous>, transform_indices = @transform_5, window_bounds = array<i64: 128, 512>}, {pipeline_mode = #tpu.pipeline_mode<synchronous>, transform_indices = @transform_6, window_bounds = array<i64: 128, 512>}, {pipeline_mode = #tpu.pipeline_mode<synchronous>, transform_indices = @transform_7, window_bounds = array<i64: 128, 512>}, {pipeline_mode = #tpu.pipeline_mode<synchronous>, transform_indices = @transform_8, window_bounds = array<i64: 1, 512>}, {transform_indices = @transform_9, window_bounds = array<i64: 512, 512>}]} {
    %get3A = arith.constant 0 : index
    %get3A_0 = arith.constant 0 : index
    %get3A_1 = vector.load %arg1[%get3A, %get3A_0] : memref<512x1024xf32, #tpu.memory_space<vmem>>, vector<512x1024xf32>
    %get3A_2 = arith.constant 0 : index
    %get3A_3 = arith.constant 0 : index
    %get3A_4 = vector.load %arg4[%get3A_2, %get3A_3] : memref<1024x128xf32, #tpu.memory_space<vmem>>, vector<1024x128xf32>
    %dot_general3A = arith.constant dense<0.000000e+00> : vector<512x128xf32>
    %dot_general3A_5 = tpu.matmul %get3A_1, %get3A_4, %dot_general3A {dimension_numbers = #tpu.dot_dimension_numbers<[1], [0], [0], [1], [0, 0, 1, 1], [], []>, transpose_lhs_hint = false} : vector<512x1024xf32>, vector<1024x128xf32>, vector<512x128xf32> -> vector<512x128xf32>
    %get3A_6 = arith.constant 0 : index
    %get3A_7 = arith.constant 0 : index
    %get3A_8 = vector.load %arg2[%get3A_6, %get3A_7] : memref<512x1024xf32, #tpu.memory_space<vmem>>, vector<512x1024xf32>
    %get3A_9 = arith.constant 0 : index
    %get3A_10 = arith.constant 0 : index
    %get3A_11 = vector.load %arg5[%get3A_9, %get3A_10] : memref<1024x128xf32, #tpu.memory_space<vmem>>, vector<1024x128xf32>
    %dot_general3A_12 = arith.constant dense<0.000000e+00> : vector<512x128xf32>
    %dot_general3A_13 = tpu.matmul %get3A_8, %get3A_11, %dot_general3A_12 {dimension_numbers = #tpu.dot_dimension_numbers<[1], [0], [0], [1], [0, 0, 1, 1], [], []>, transpose_lhs_hint = false} : vector<512x1024xf32>, vector<1024x128xf32>, vector<512x128xf32> -> vector<512x128xf32>
    %get3A_14 = arith.constant 0 : index
    %get3A_15 = arith.constant 0 : index
    %get3A_16 = vector.load %arg6[%get3A_14, %get3A_15] : memref<128x512xf32, #tpu.memory_space<vmem>>, vector<128x512xf32>
    %dot_general3A_17 = arith.constant dense<0.000000e+00> : vector<512x512xf32>
    %dot_general3A_18 = tpu.matmul %dot_general3A_5, %get3A_16, %dot_general3A_17 {dimension_numbers = #tpu.dot_dimension_numbers<[1], [0], [0], [1], [0, 0, 1, 1], [], []>, transpose_lhs_hint = false} : vector<512x128xf32>, vector<128x512xf32>, vector<512x512xf32> -> vector<512x512xf32>
    %get3A_19 = arith.constant 0 : index
    %get3A_20 = arith.constant 0 : index
    %get3A_21 = vector.load %arg7[%get3A_19, %get3A_20] : memref<128x512xf32, #tpu.memory_space<vmem>>, vector<128x512xf32>
    %dot_general3A_22 = arith.constant dense<0.000000e+00> : vector<512x512xf32>
    %dot_general3A_23 = tpu.matmul %dot_general3A_13, %get3A_21, %dot_general3A_22 {dimension_numbers = #tpu.dot_dimension_numbers<[1], [0], [0], [1], [0, 0, 1, 1], [], []>, transpose_lhs_hint = false} : vector<512x128xf32>, vector<128x512xf32>, vector<512x512xf32> -> vector<512x512xf32>
    %add3A = arith.addf %dot_general3A_18, %dot_general3A_23 : vector<512x512xf32>
    %get3A_24 = arith.constant 0 : index
    %get3A_25 = arith.constant 0 : index
    %get3A_26 = vector.load %arg3[%get3A_24, %get3A_25] : memref<512x128xf32, #tpu.memory_space<vmem>>, vector<512x128xf32>
    %get3A_27 = arith.constant 0 : index
    %get3A_28 = arith.constant 0 : index
    %get3A_29 = vector.load %arg8[%get3A_27, %get3A_28] : memref<128x512xf32, #tpu.memory_space<vmem>>, vector<128x512xf32>
    %dot_general3A_30 = arith.constant dense<0.000000e+00> : vector<512x512xf32>
    %dot_general3A_31 = tpu.matmul %get3A_26, %get3A_29, %dot_general3A_30 {dimension_numbers = #tpu.dot_dimension_numbers<[1], [0], [0], [1], [0, 0, 1, 1], [], []>, transpose_lhs_hint = false} : vector<512x128xf32>, vector<128x512xf32>, vector<512x512xf32> -> vector<512x512xf32>
    %add3A_32 = arith.addf %add3A, %dot_general3A_31 : vector<512x512xf32>
    %mul3A = arith.constant 2.000000e-02 : f32
    %mul3A_33 = vector.broadcast %mul3A : f32 to vector<512x512xf32>
    %mul3A_34 = arith.mulf %add3A_32, %mul3A_33 : vector<512x512xf32>
    %get3A_35 = arith.constant 0 : index
    %get3A_36 = arith.constant 0 : index
    %get3A_37 = vector.load %arg9[%get3A_35, %get3A_36] : memref<1x512xf32, #tpu.memory_space<vmem>>, vector<1x512xf32>
    %add3A_38 = vector.broadcast %get3A_37 : vector<1x512xf32> to vector<512x512xf32>
    %add3A_39 = arith.addf %mul3A_34, %add3A_38 : vector<512x512xf32>
    %max3A = arith.constant 0.000000e+00 : f32
    %max3A_40 = vector.broadcast %max3A : f32 to vector<512x512xf32>
    %max3A_41 = arith.maximumf %add3A_39, %max3A_40 : vector<512x512xf32>
    %swap3A = arith.constant 0 : index
    %swap3A_42 = arith.constant 0 : index
    %swap3A_43 = vector.load %arg10[%swap3A, %swap3A_42] : memref<512x512xf32, #tpu.memory_space<vmem>>, vector<512x512xf32>
    tpu.vector_store %arg10[%swap3A, %swap3A_42], %max3A_41 {strides = array<i32>} : memref<512x512xf32, #tpu.memory_space<vmem>>, vector<512x512xf32>,
    return
  }
  func.func @transform_0(%arg0: i32) -> (i32, i32) {
    %c0_i32 = arith.constant 0 : i32
    %c0_i32_0 = arith.constant 0 : i32
    return %arg0, %c0_i32 : i32, i32
  }
  func.func @transform_1(%arg0: i32) -> (i32, i32) {
    %c0_i32 = arith.constant 0 : i32
    %c0_i32_0 = arith.constant 0 : i32
    return %arg0, %c0_i32 : i32, i32
  }
  func.func @transform_2(%arg0: i32) -> (i32, i32) {
    %c0_i32 = arith.constant 0 : i32
    %c0_i32_0 = arith.constant 0 : i32
    return %arg0, %c0_i32 : i32, i32
  }
  func.func @transform_3(%arg0: i32) -> (i32, i32) {
    %c0_i32 = arith.constant 0 : i32
    %c0_i32_0 = arith.constant 0 : i32
    %c0_i32_1 = arith.constant 0 : i32
    return %c0_i32, %c0_i32_0 : i32, i32
  }
  func.func @transform_4(%arg0: i32) -> (i32, i32) {
    %c0_i32 = arith.constant 0 : i32
    %c0_i32_0 = arith.constant 0 : i32
    %c0_i32_1 = arith.constant 0 : i32
    return %c0_i32, %c0_i32_0 : i32, i32
  }
  func.func @transform_5(%arg0: i32) -> (i32, i32) {
    %c0_i32 = arith.constant 0 : i32
    %c0_i32_0 = arith.constant 0 : i32
    %c0_i32_1 = arith.constant 0 : i32
    return %c0_i32, %c0_i32_0 : i32, i32
  }
  func.func @transform_6(%arg0: i32) -> (i32, i32) {
    %c0_i32 = arith.constant 0 : i32
    %c0_i32_0 = arith.constant 0 : i32
    %c0_i32_1 = arith.constant 0 : i32
    return %c0_i32, %c0_i32_0 : i32, i32
  }
  func.func @transform_7(%arg0: i32) -> (i32, i32) {
    %c0_i32 = arith.constant 0 : i32
    %c0_i32_0 = arith.constant 0 : i32
    %c0_i32_1 = arith.constant 0 : i32
    return %c0_i32, %c0_i32_0 : i32, i32
  }
  func.func @transform_8(%arg0: i32) -> (i32, i32) {
    %c0_i32 = arith.constant 0 : i32
    %c0_i32_0 = arith.constant 0 : i32
    %c0_i32_1 = arith.constant 0 : i32
    return %c0_i32, %c0_i32_0 : i32, i32
  }
  func.func @transform_9(%arg0: i32) -> (i32, i32) {
    %c0_i32 = arith.constant 0 : i32
    %c0_i32_0 = arith.constant 0 : i32
    return %arg0, %c0_i32 : i32, i32
  }
}

</mosaic_0001>

<sc_bundles>
// kernel: kernel.4.cloned.1.call-start
scs
__scs_entry_jumppad:
0x0: {  	(pc) =	sbr.rel $0x88, $3  }
0x1: {  	(tag) =	ssettag $0x0;
	lr =	simm.s32 $0x1  }
0x2: {  	[smem:$0x3F99] =	sst lr;
	_ =	strace $0xD0000000  }
0x3: {  	_ = 	snop  }
0x4: {  	_ = 	snop  }
0x5: {  	_ = 	snop  }
0x6: {  	_ = 	snop  }
0x7: {  	_ = 	snop  }
__scs_overlays_trampoline_lowered:
0x8: {  	[smem:$0x3FA8] =	sst s0  }
0x9: {  	[smem:$0x3FA9] =	sst s1  }
0xa: {  	[smem:$0x3FAA] =	sst s2  }
0xb: {  	[smem:$0x3FAB] =	sst s3  }
0xc: {  	[smem:$0x3FAC] =	sst s4  }
0xd: {  	[smem:$0x3FAD] =	sst s5  }
0xe: {  	[smem:$0x3FAE] =	sst s6  }
0xf: {  	[smem:$0x3FAF] =	sst s7  }
0x10: {  	[smem:$0x3FB0] =	sst s8  }
0x11: {  	[smem:$0x3FB1] =	sst s9;
	s0 =	simm.s32 @!p0 $0x0  }
0x12: {  	s1 =	sld [smem:$0x3F97];
	s0 =	simm.s32 @p0 $0x1  }
0x13: {  	[smem:$0x3FB2] =	sst s0;
	s0 =	simm.s32 @!p1 $0x0  }
0x14: {  	s2 =	sld [smem:$0x3F96];
	s0 =	simm.s32 @p1 $0x1  }
0x15: {  	[smem:$0x3FB3] =	sst s0;
	s0 =	simm.s32 @!p2 $0x0  }
0x16: {  	s3 =	sld [smem:$0x3FDB];
	s0 =	simm.s32 @p2 $0x1  }
0x17: {  	s4 =	simm.s32 $0x1BF5;
	[smem:$0x3FB5] =	sst s0  }
0x18: {  	s0 =	sld [smem:$0x3F98];
	_ =	swait.ge [sflag:s4], $0x0  }
0x19: {  	s7 =	sld [smem:$0x3F99]  }
0x1a: {  	s8 =	sadd.s32 $0xFFFFE003, lr  }
0x1b: {  	s9 =	sadd.s32 $0xFFFFFEF7, lr;
	s5 =	simm.s32 $0xFFFFFFFF;
	p2 =	slt.u32 s8, $0xFFFFF086  }
0x1c: {  	p1 =	slt.u32 s9, $0xF7A;
	s5 =	simm.s32 @!p2 $0x0  }
0x1d: {  	s5 =	simm.s32 @p1 $0x1;
	p0 =	seq.s32 s7, s2  }
0x1e: {  	s7 =	smul.u32 @!p0 $0xF7A, s2;
	p2 =	seq.s32 @!p0 s5, $0x0  }
0x1f: {  	s9 =	smul.u32 $0xF7A, s1;
	s8 =	simm.s32 @!p0 $0x1BF5;
	p2 =	por !p2, p0  }
0x20: {  	[sflag:s8] =	ssyncset.s32 @!p0 $0xFFFFF086;
	s6 =	sadd.s32 @!p0 s3, s7;
	s7 =	simm.s32 @!p0 $0x108  }
0x21: {  	s3 =	sadd.s32 s3, s9;
	s6 =	sadd.s32 @!p0 $0x88, s6;
	s7 =	simm.s32 @p2 $0x1082  }
0x22: {  	[simem:s7], [sflag:s8] =	dma.local @!p0 [hbm:s6], $0xF7A  }
0x23: {  	s9 =	sor.u32 $0xD0000000, s2;
	s6 =	simm.s32 $0x108;
	_ =	swait.ge @!p0 [sflag:s8], $0x0  }
0x24: {  	s3 =	sadd.s32 $0x88, s3;
	s6 =	simm.s32 @!p1 $0x1082;
	[sflag:s4] =	ssyncset.s32 $0xFFFFF086  }
0x25: {  	[simem:s6], [sflag:s4] =	dma.local [hbm:s3], $0xF7A  }
0x26: {  	[smem:$0x3F99] =	sst s1;
	(tag) =	ssettag s2;
	_ =	strace s9  }
0x27: {  	s1 =	sld [smem:$0x3FA9]  }
0x28: {  	s2 =	sld [smem:$0x3FAA]  }
0x29: {  	s4 =	sld [smem:$0x3FAC]  }
0x2a: {  	p0 =	seq.s32 s5, $0x0;
	s5 =	sld [smem:$0x3FAD]  }
0x2b: {  	s6 =	sld [smem:$0x3FAE]  }
0x2c: {  	s7 =	sld [smem:$0x3FAF]  }
0x2d: {  	s3 =	simm.s32 $0x108;
	s8 =	sld [smem:$0x3FB0]  }
0x2e: {  	s3 =	simm.s32 @!p0 $0x1082;
	s9 =	sld [smem:$0x3FB1]  }
0x2f: {  	lr =	sadd.s32 s0, s3;
	s0 =	sld [smem:$0x3FA8]  }
0x30: {  	s3 =	sld [smem:$0x3FAB]  }
0x31: {  	[smem:$0x3FB4] =	sst s10  }
0x32: {  	s10 =	sld [smem:$0x3FB2];
	_ =	sdelay $0x3  }
0x33: {  	p0 =	seq.s32 s10, $0x1;
	s10 =	sld [smem:$0x3FB4];
	_ =	sdelay $0x3  }
0x34: {  	[smem:$0x3FB4] =	sst s10  }
0x35: {  	s10 =	sld [smem:$0x3FB3];
	_ =	sdelay $0x3  }
0x36: {  	p1 =	seq.s32 s10, $0x1;
	s10 =	sld [smem:$0x3FB4];
	_ =	sdelay $0x3  }
0x37: {  	[smem:$0x3FB4] =	sst s10  }
0x38: {  	s10 =	sld [smem:$0x3FB5]  }
0x39: {  	_ = 	snop;
	(pc) =	sbr.ind lr, $3  }
0x3a: {  	_ = 	snop  }
0x3b: {  	_ = 	snop  }
0x3c: {  	p2 =	seq.s32 s10, $0x1;
	s10 =	sld [smem:$0x3FB4]  }
0x3d: {  	_ =	shalt  }
0x3e: {  	_ =	shalt  }
0x3f: {  	_ =	shalt  }
0x40: {  	_ =	shalt  }
0x41: {  	_ =	shalt  }
0x42: {  	_ =	shalt  }
0x43: {  	_ =	shalt  }
0x44: {  	_ =	shalt  }
0x45: {  	_ =	shalt  }
0x46: {  	_ =	shalt  }
0x47: {  	_ =	shalt  }
0x48: {  	_ =	shalt  }
0x49: {  	_ =	shalt  }
0x4a: {  	_ =	shalt  }
0x4b: {  	_ =	shalt  }
0x4c: {  	_ =	shalt  }
0x4d: {  	_ =	shalt  }
0x4e: {  	_ =	shalt  }
0x4f: {  	_ =	shalt  }
0x50: {  	_ =	shalt  }
0x51: {  	_ =	shalt  }
0x52: {  	_ =	shalt  }
0x53: {  	_ =	shalt  }
0x54: {  	_ =	shalt  }
0x55: {  	_ =	shalt  }
0x56: {  	_ =	shalt  }
0x57: {  	_ =	shalt  }
0x58: {  	_ =	shalt  }
0x59: {  	_ =	shalt  }
0x5a: {  	_ =	shalt  }
0x5b: {  	_ =	shalt  }
0x5c: {  	_ =	shalt  }
0x5d: {  	_ =	shalt  }
0x5e: {  	_ =	shalt  }
0x5f: {  	_ =	shalt  }
0x60: {  	_ =	shalt  }
0x61: {  	_ =	shalt  }
0x62: {  	_ =	shalt  }
0x63: {  	_ =	shalt  }
0x64: {  	_ =	shalt  }
0x65: {  	_ =	shalt  }
0x66: {  	_ =	shalt  }
0x67: {  	_ =	shalt  }
0x68: {  	_ =	shalt  }
0x69: {  	_ =	shalt  }
0x6a: {  	_ =	shalt  }
0x6b: {  	_ =	shalt  }
0x6c: {  	_ =	shalt  }
0x6d: {  	_ =	shalt  }
0x6e: {  	_ =	shalt  }
0x6f: {  	_ =	shalt  }
0x70: {  	_ =	shalt  }
0x71: {  	_ =	shalt  }
0x72: {  	_ =	shalt  }
0x73: {  	_ =	shalt  }
0x74: {  	_ =	shalt  }
0x75: {  	_ =	shalt  }
0x76: {  	_ =	shalt  }
0x77: {  	_ =	shalt  }
0x78: {  	_ =	shalt  }
0x79: {  	_ =	shalt  }
0x7a: {  	_ =	shalt  }
0x7b: {  	_ =	shalt  }
0x7c: {  	_ =	shalt  }
0x7d: {  	_ =	shalt  }
0x7e: {  	_ =	shalt  }
0x7f: {  	_ =	shalt  }
0x80: {  	_ =	shalt  }
0x81: {  	_ =	shalt  }
0x82: {  	_ =	shalt  }
0x83: {  	_ =	shalt  }
0x84: {  	_ =	shalt  }
0x85: {  	_ =	shalt  }
0x86: {  	_ =	shalt  }
0x87: {  	_ =	shalt  }
.Lfunc_end0:
.L_simem_size_0:
called_computation_lowered:
.L_overlay_start_0:
0x88: {  	s2 =	sld [smem:$0x3FD9]  }
0x89: {  	s3 =	sld [smem:$0x3FFE];
	_ =	sdelay $0x1  }
0x8a: {  	s1 =	srdreg.scid  }
0x8b: {  	s0 =	sand.u32 $0x1, s1  }
0x8c: {  	s17 =	sshll.u32 s0, $0xA;
	s2 =	sadd.s32 s3, s2  }
0x8d: {  	s2 =	sadd.s32 s2, s17  }
0x8e: {  	[smem:$0x3FC0] =	sst s2  }
0x8f: {  	_ = 	snop  }
0x90: {  	s2 =	sld [smem:$0x3FC4]  }
0x91: {  	s18 =	sld [smem:$0x3FD0];
	(tm) =	ssettm $0x1  }
0x92: {  	s4 =	sld [smem:$0x3FFB];
	_ =	sdelay $0x3  }
0x93: {  	_ =	strace s4  }
0x94: {  	s4 =	sld [smem:$0x3FFC];
	_ =	sdelay $0x3  }
0x95: {  	_ =	strace s4  }
0x96: {  	s4 =	sld [smem:$0x3FFD];
	_ =	sdelay $0x3  }
0x97: {  	_ =	strace s4  }
0x98: {  	_ =	strace $0x8FFFFFFF  }
0x99: {  	s19 =	sld [smem:$0x3FDB];
	_ =	sdelay $0x1  }
0x9a: {  	s5 =	simm.s32 $_scs_section_size  }
0x9b: {  	s6 =	simm.s32 $_size__tile_overlayer_lowered;
	s7 =	simm.s32 $_tile_overlayer_lowered  }
0x9c: {  	s22 =	simm.s32 $0x1BFF;
	s21 =	sshll.u32 s7, $0x1;
	s4 =	sadd.s32 s5, s19  }
0x9d: {  	s8 =	simm.s32 $0x0;
	s20 =	sshll.u32 s6, $0x1;
	s6 =	sadd.s32 s21, s4  }
0x9e: {  	[timem:s8], [sflag:s22] =	dma.local [hbm:s6], s20  }
0x9f: {  	_ =	swait.ge [sflag:s22], s20  }
0xa0: {  	s5 =	ssub.s32 $0x0, s20;
	[sflag:s22] =	ssyncset.done $0x0  }
0xa1: {  	[sflag:s22] =	ssyncadd.s32 s5;
	_ =	sdelay $0x1  }
0xa2: {  	s23 =	simm.s32 $0x1B8B  }
0xa3: {  	_ =	swait.ge [sflag:s23], $0x1  }
0xa4: {  	[sflag:s23] =	ssyncset.done $0x0  }
0xa5: {  	s25 =	simm.s32 $0x1B8E;
	s24 =	sld [smem:$0x3FFE];
	[sflag:s23] =	ssyncadd.s32 $0xFFFFFFFF  }
0xa6: {  	s26 =	simm.s32 $execute0_lowered;
	[smem:$0x3FD2] =	sst s25  }
0xa7: {  	s6 =	sshll.u32 s26, $0x1;
	_ =	strace $0x80000046;
	[dreg:$0x1] =	wrdreg $0xFFFFFFFF  }
0xa8: {  	s28 =	simm.s32 $_size_execute0_lowered;
	s4 =	sadd.s32 s4, s6;
	[dreg:$0x0] =	wrdreg $0x0  }
0xa9: {  	s6 =	sshll.u32 s28, $0x1;
	[dreg:$0x2] =	wrdreg s4  }
0xaa: {  	[dreg:$0x3] =	wrdreg s6  }
0xab: {  	[dreg:$0x4] =	wrdreg $0xC0  }
0xac: {  	_ =	task [dreg:s8], $0x5FFFF  }
0xad: {  	[dreg:$0x1] =	wrdreg $0xFFFFFFFF  }
0xae: {  	[dreg:$0x0] =	wrdreg $0x60  }
0xaf: {  	[dreg:$0x2] =	wrdreg s24  }
0xb0: {  	[dreg:$0x3] =	wrdreg s18  }
0xb1: {  	[dreg:$0x4] =	wrdreg s2  }
0xb2: {  	[dreg:$0x5] =	wrdreg $0x140000  }
0xb3: {  	[dreg:$0x6] =	wrdreg $0x9  }
0xb4: {  	_ =	task.clear_ibuf [dreg:s8], $0x7FFFF;
	_ =	strace $0x90000046  }
0xb5: {  	s29 =	simm.s32 $0x9;
	_ =	strace $0x80000048  }
0xb6: {  	_ =	swait.ge [sflag:s29], $0x1  }
0xb7: {  	[sflag:s29] =	ssyncadd.s32 $0xFFFFFFFF  }
0xb8: {  	_ =	strace $0x90000048  }
0xb9: {  	_ =	sfence  }
0xba: {  	s30 =	sld [smem:$0x0];
	_ =	sdelay $0x2  }
0xbb: {  	s31 =	sshll.u32 s1, $0xD;
	s1 =	sshrl.u32 s1, $0x2  }
0xbc: {  	s3 =	sand.u32 $0x4000, s31;
	s1 =	sadd.s32 s1, s30  }
0xbd: {  	s0 =	sor.u32 s3, s0;
	s1 =	sshll.u32 s1, $0x11  }
0xbe: {  	s0 =	sor.u32 s1, s0  }
0xbf: {  	s0 =	sadd.s32 $0x8F2B, s0  }
0xc0: {  	[sflag:s0] =	ssyncadd.remote.s32 $0x1  }
0xc1: {  	_ =	sfence.sel $0xFFFF  }
0xc2: {  	[dreg:$0x0] =	wrdreg $0xFFFFFFFF;
	(pc) =	sbr.abs _section_cstart, $3  }
0xc3: {  	[dreg:$0x1] =	wrdreg $0xFFFFFFFF  }
0xc4: {  	_ =	task.clear_ibuf [dreg:s8], $0x2FFFF;
	_ =	strace $0x9FFFFFFF  }
0xc5: {  	(tm) =	ssettm $0x7FFFFFFF  }
tec
execute0_lowered:
.L_overlay_start_1:
0x0: {  	(tag) =	ssettag $0x1  }
0x1: {  	s0 =	rddreg [dreg:$0x0];
	s2 =	srdreg.scid;
	v0 =	vimm.s32 $0x2380;
	vm0 =	vcmask $0x300;
	v1 =	vimm.s32 $0x6380  }
0x2: {  	s1 =	rddreg [dreg:$0x1];
	s16 =	stileid.u32;
	vm1 =	vcmask $0x704;
	v0 =	vsel vm0, $0x0, v0;
	v1 =	vsel vm0, $0x4000, v1  }
0x3: {  	s4 =	rddreg [dreg:$0x3];
	vm15 =	vcmask $0xB08;
	s17 =	simm.s32 $0x5;
	s20 =	simm.s32 $0x80;
	v0 =	vsel vm1, $0x80, v0;
	v1 =	vsel vm1, $0x4080, v1  }
0x4: {  	vm4 =	vcmask $0xF0C;
	s22 =	simm.s32 $0x1;
	s23 =	simm.s32 $0x4000;
	s24 =	simm.s32 $0x2;
	v0 =	vsel vm15, $0x100, v0;
	v1 =	vsel vm15, $0x4100, v1  }
0x5: {  	vm5 =	vcmask $0x1310;
	s25 =	simm.s32 $0x4;
	s26 =	simm.s32 $0x3;
	s28 =	simm.s32 $0x3800;
	v0 =	vsel vm4, $0x180, v0;
	v1 =	vsel vm4, $0x4180, v1  }
0x6: {  	vm6 =	vcmask $0x1714;
	s29 =	simm.s32 $0x0;
	s3 =	sand.u32 $0x1, s2;
	s2 =	rddreg [dreg:$0x2];
	v0 =	vsel vm5, $0x200, v0;
	v1 =	vsel vm5, $0x4200, v1  }
0x7: {  	vm7 =	vcmask $0x1B18;
	s7 =	smul.u32 $0x380, s16;
	s8 =	sadd.s32 $0xDA00, s0;
	s9 =	sadd.s32 $0x9DA00, s0;
	v0 =	vsel vm6, $0x280, v0;
	v1 =	vsel vm6, $0x4280, v1  }
0x8: {  	vm8 =	vcmask $0x1F1C;
	s30 =	sshll.u32 s16, $0xE;
	s31 =	sshll.u32 s16, $0x6;
	s5 =	sshll.u32 s3, $0x4;
	v0 =	vsel vm7, $0x300, v0;
	v1 =	vsel vm7, $0x4300, v1  }
0x9: {  	vm9 =	vcmask $0x2320;
	s3 =	ssub.s32 $0x2, s3;
	s19 =	sadd.s32 s30, s4;
	s18 =	sor.u32 $0x1C05, s31;
	v0 =	vsel vm8, $0x380, v0;
	v1 =	vsel vm8, $0x4380, v1  }
0xa: {  	vm10 =	vcmask $0x2724;
	s13 =	sor.u32 s16, s5;
	s5 =	simm.s32 $0x0;
	s10 =	sadd.s32 s7, s0;
	v0 =	vsel vm9, $0x2000, v0;
	v1 =	vsel vm9, $0x6000, v1  }
0xb: {  	vm11 =	vcmask $0x2B28;
	s7 =	sadd.s32 $0xCA00, s0;
	s14 =	sshrl.u32 s3, $0x1;
	s6 =	smul.u32 $0x380, s13;
	v0 =	vsel vm10, $0x2080, v0;
	v1 =	vsel vm10, $0x6080, v1  }
.Ltmp0:
0xc: {  	vm12 =	vcmask $0x2F2C;
	s19 =	sshrl.u32 s19, $0x3;
	[smem:$0x7FF] =	sst s5;
	v0 =	vsel vm11, $0x2100, v0;
	v1 =	vsel vm11, $0x6100, v1;
	(pc) =	sbr.rel .LBB2_1-.Ltmp0, $4  }
0xd: {  	vm13 =	vcmask $0x3330;
	s12 =	sshll.u32 s13, $0xB;
	s3 =	ssub.s32 s3, s14;
	s10 =	sadd.s32 $0x8A00, s10;
	v0 =	vsel vm12, $0x2180, v0;
	v1 =	vsel vm12, $0x6180, v1  }
0xe: {  	vm14 =	vcmask $0x3734;
	_ =	strace $0x80000047;
	s15 =	smax.u32 s3, $0x1;
	s11 =	sadd.s32 s6, s0;
	v0 =	vsel vm13, $0x2200, v0;
	v1 =	vsel vm13, $0x6200, v1  }
0xf: {  	vm15 =	vcmask $0x3B38;
	s6 =	sadd.s32 $0xC200, s0;
	s0 =	sadd.s32 s12, s0;
	s12 =	sshll.u32 s13, $0xA;
	v0 =	vsel vm14, $0x2280, v0;
	v2 =	vsel vm14, $0x6280, v1  }
0x10: {  	s13 =	sshll.u32 s13, $0x7;
	s11 =	sadd.s32 $0x1A00, s11;
	s14 =	sadd.s32 $0x8DA00, s0;
	v1 =	vimm.f32 $1.000000000e+00;
	v0 =	vsel vm15, $0x2300, v0;
	v2 =	vsel vm15, $0x6300, v2  }
.LBB2_9:
0x11: {  	_ =	swait.ge [sflag:s24], $0x4000  }
0x12: {  	[sflag:s24] =	ssyncset.done $0x0  }
0x13: {  	[sflag:s24] =	ssyncadd.s32 $0xFFFFC000  }
0x14: {  	s29 =	sadd.s32 $0x1, s29;
	_ =	swait.ge [sflag:s25], $0x8000  }
0x15: {  	p0 =	sne.s32 s29, s15;
	[sflag:s25] =	ssyncset.done $0x0  }
.Ltmp1:
0x16: {  	[sflag:s25] =	ssyncadd.s32 $0xFFFF8000;
	(pc) =	sbr.rel @!p0 .LBB2_10-.Ltmp1, $4  }
0x17: {  	[hbm:s14], [sflag:s18] =	dma.local [spmem:s19], $0x800  }
0x18: {  	_ =	swait.ge [sflag:s17], $0x800  }
0x19: {  	[sflag:s17] =	ssyncset.done $0x0  }
0x1a: {  	[sflag:s17] =	ssyncadd.s32 $0xFFFFF800  }
.LBB2_1:
0x1b: {  	s0 =	simm.s32 $0x1C00  }
0x1c: {  	[tilespmem:s0], [sflag:$0x5] =	stream.linear.gather [hbm4b:s10+s5], $0x1900, $0x38;
	[tilespmem:$0x18000] =	vst v63  }
0x1d: {  	_ =	swait.ge [sflag:s17], $0x1900  }
0x1e: {  	[sflag:s17] =	ssyncset.done $0x0  }
0x1f: {  	[sflag:s17] =	ssyncadd.s32 $0xFFFFE700  }
0x20: {  	[tilespmem:s5], [sflag:$0x5] =	stream.linear.gather [hbm4b:s11+s5], $0x1900, $0x38;
	[tilespmem:$0x18000] =	vst v63  }
0x21: {  	_ =	swait.ge [sflag:s17], $0x1900  }
0x22: {  	[sflag:s17] =	ssyncset.done $0x0  }
0x23: {  	[sflag:s17] =	ssyncadd.s32 $0xFFFFE700  }
0x24: {  	[spmem:s19], [sflag:s18] =	dma.local [hbm:s6], $0x800  }
.Ltmp2:
0x25: {  	_ = 	snop;
	(pc) =	sbr.rel .LBB2_2-.Ltmp2, $4  }
0x26: {  	_ =	swait.ge [sflag:s17], $0x800  }
0x27: {  	[sflag:s17] =	ssyncset.done $0x0  }
0x28: {  	s31 =	simm.s32 $0xC000;
	s30 =	simm.s32 $0x0;
	[sflag:s17] =	ssyncadd.s32 $0xFFFFF800  }
0x29: {  	[tilespmem:s31], [sflag:$0x1] =	stream.indirect.gather [hbm4b:s2+s20], $0x80, s5, s20, $0xb8;
	[tilespmem:$0x18000] =	vst v63  }
.LBB2_3:
0x2a: {  	p0 =	slt.u32 s30, $0x8  }
0x2b: {  	s0 =	simm.s32 @!p0 $0x4  }
0x2c: {  	_ =	swait.ge @!p0 [sflag:s0], $0x8000  }
0x2d: {  	[sflag:s0] =	ssyncset.done @!p0 $0x0  }
0x2e: {  	[sflag:s0] =	ssyncadd.s32 @!p0 $0xFFFF8000  }
0x2f: {  	[tilespmem:s23], [sflag:$0x3] =	stream.linear.gather [hbm4b:s7+s5], $0x8000, $0x38;
	[tilespmem:$0x18000] =	vst v63  }
.LBB2_8:
0x30: {  	s30 =	sadd.s32 $0x1, s30  }
0x31: {  	p0 =	sne.s32 s30, $0x32  }
.Ltmp3:
0x32: {  	_ = 	snop;
	(pc) =	sbr.rel @!p0 .LBB2_9-.Ltmp3, $1  }
0x33: {  	_ =	sdelay $0x3  }
.LBB2_2:
0x34: {  	_ =	swait.ge [sflag:s22], $0x4000  }
0x35: {  	p0 =	seq.s32 s30, $0x0;
	[sflag:s22] =	ssyncset.done $0x0  }
0x36: {  	s3 =	simm.s32 @!p0 $0x2;
	[sflag:s22] =	ssyncadd.s32 $0xFFFFC000  }
0x37: {  	_ =	swait.ge @!p0 [sflag:s3], $0x4000  }
0x38: {  	p1 =	seq.s32 @!p0 s30, $0x31;
	[sflag:s3] =	ssyncset.done @!p0 $0x0  }
0x39: {  	p1 =	por p0, !p1;
	[sflag:s3] =	ssyncadd.s32 @!p0 $0xFFFFC000;
	s3 =	simm.s32 @!p0 $0x6200  }
0x3a: {  	s0 =	sand.u32 $0x1, s30;
	s3 =	sshll.u32 @p1 s30, $0x9  }
0x3b: {  	s31 =	sshll.u32 @p1 s0, $0xE;
	s16 =	sshrl.u32 @p1 s3, $0x2  }
0x3c: {  	s31 =	ssub.s32 @p1 $0x10000, s31;
	s16 =	sadd.s32 @p1 $0x80, s16  }
0x3d: {  	[tilespmem:s31], [sflag:$0x1] =	stream.indirect.gather @p1 [hbm4b:s2+s20], $0x80, s16, s20, $0xb8;
	[tilespmem:$0x18000] =	vst v63  }
0x3e: {  	s31 =	smul.u32 $0xCD, s30;
	_ =	sdelay $0x1  }
0x3f: {  	s16 =	sshrl.u32 s31, $0xA  }
0x40: {  	s21 =	sshll.u32 s0, $0xE;
	s3 =	sshrl.u32 s3, $0x2;
	s0 =	sand.u32 $0x3F, s16  }
0x41: {  	s3 =	sadd.s32 $0x1C00, s3;
	s16 =	sadd.s32 $0xC000, s21;
	s21 =	smul.u32 $0x5, s0  }
0x42: {  	[spmem:s4] =	stream.indirect.scatter.add.f32 [tilespmem:s16], [sflag:$0x2], $0x80, s3, s20, $0xb8;
	[tilespmem:$0x18000] =	vst v63  }
0x43: {  	p0 =	sgt.u32 s30, $0x27;
	s3 =	ssub.s32 s30, s21  }
0x44: {  	s16 =	sand.u32 @!p0 $0xFF, s3  }
0x45: {  	p1 =	sne.s32 @!p0 s16, $0x3  }
0x46: {  	p0 =	por p0, p1  }
.Ltmp4:
0x47: {  	_ = 	snop;
	(pc) =	sbr.rel @!p0 .LBB2_3-.Ltmp4, $1  }
0x48: {  	_ =	sdelay $0x3  }
0x49: {  	s16 =	sadd.s32 $0xFFFFFFFB, s30  }
0x4a: {  	p0 =	sgt.u32 s16, $0x23  }
0x4b: {  	s3 =	sand.u32 @!p0 $0xFF, s3  }
0x4c: {  	p1 =	sne.s32 @!p0 s3, $0x0  }
0x4d: {  	p0 =	por p0, p1  }
.Ltmp5:
0x4e: {  	_ = 	snop;
	(pc) =	sbr.rel @p0 .LBB2_8-.Ltmp5, $1  }
0x4f: {  	_ =	sdelay $0x3  }
0x50: {  	p0 =	slt.u32 s30, $0x19;
	s3 =	simm.s32 $0xFFFFFFFF  }
0x51: {  	s3 =	simm.s32 @!p0 $0xFFFFFFFB  }
0x52: {  	s31 =	sadd.s32 s0, s3  }
0x53: {  	p6 =	slt.u32 s30, $0xA;
	p1 =	sne.s32 s31, $0x0  }
0x54: {  	s0 =	simm.s32 $0x1;
	p0 =	por !p6, !p1  }
0x55: {  	s3 =	simm.s32 $0x1;
	p1 =	sgt.u32 s30, $0x18;
	p0 =	por !p0, !p0  }
0x56: {  	s0 =	simm.s32 @!p1 $0x0;
	s3 =	simm.s32 @!p0 $0x0  }
0x57: {  	s3 =	ssub.s32 s0, s3  }
0x58: {  	s0 =	sshll.u32 s3, $0xF  }
0x59: {  	s0 =	sand.u32 $0x1FFF8000, s0  }
0x5a: {  	_ =	swait.ge [sflag:s26], $0x8000;
	s16 =	sshll.u32 s31, $0x8;
	s0 =	sadd.s32 s1, s0  }
0x5b: {  	[sflag:s26] =	ssyncset.done $0x0;
	s16 =	sand.u32 $0x1FFFFF00, s16;
	s0 =	sadd.s32 s12, s0  }
0x5c: {  	[sflag:s26] =	ssyncadd.s32 $0xFFFF8000;
	s16 =	sadd.s32 s16, s0;
	s0 =	simm.s32 $0x0  }
0x5d: {  	[tilespmem:s28], [sflag:$0x5] =	stream.linear.gather [hbm4b:s16+s0], $0x680, $0x38;
	[tilespmem:$0x18000] =	vst v63  }
0x5e: {  	_ =	swait.ge [sflag:s17], $0x680  }
0x5f: {  	[sflag:s17] =	ssyncset.done $0x0  }
0x60: {  	[sflag:s17] =	ssyncadd.s32 $0xFFFFF980  }
.LBB2_6:
0x61: {  	s16 =	sshra.s32 s0, $0x2  }
0x62: {  	v3 =	vld [tilespmem:s16+$0x3800];
	_ =	sdelay $0x4  }
0x63: {  	v4 =	vshll.u32 v3, $0x3  }
0x64: {  	v3 =	vand.u32 $0x7F, v3;
	v4 =	vand.u32 $0xFFFFFC00, v4  }
0x65: {  	v3 =	vor.u32 v3, v4  }
0x66: {  	v3 =	vadd.s32 v0, v3;
	_ =	sdelay $0x4  }
0x67: {  	[tilespmem:v3+s23+$0x0] =	vst.idx.add.f32.msk $0xffff, v1  }
0x68: {  	v3 =	vld [tilespmem:s16+$0x3810];
	_ =	sdelay $0x4  }
0x69: {  	v57 =	vshll.u32 v3, $0x3  }
0x6a: {  	v3 =	vand.u32 $0x7F, v3;
	v4 =	vand.u32 $0xFFFFFC00, v57  }
0x6b: {  	v3 =	vor.u32 v3, v4  }
0x6c: {  	v3 =	vadd.s32 v2, v3;
	_ =	sdelay $0x4  }
0x6d: {  	[tilespmem:v3+s23+$0x0] =	vst.idx.add.f32.msk $0xffff, v1  }
0x6e: {  	v3 =	vld [tilespmem:s16+$0x3820];
	_ =	sdelay $0x4  }
0x6f: {  	v58 =	vshll.u32 v3, $0x3  }
0x70: {  	v3 =	vand.u32 $0x7F, v3;
	v4 =	vand.u32 $0xFFFFFC00, v58  }
0x71: {  	v3 =	vor.u32 v3, v4  }
0x72: {  	v3 =	vadd.s32 v0, v3;
	_ =	sdelay $0x4  }
0x73: {  	[tilespmem:v3+s23+$0x0] =	vst.idx.add.f32.msk $0xffff, v1  }
0x74: {  	v3 =	vld [tilespmem:s16+$0x3830];
	_ =	sdelay $0x4  }
0x75: {  	v59 =	vshll.u32 v3, $0x3  }
0x76: {  	v3 =	vand.u32 $0x7F, v3;
	v4 =	vand.u32 $0xFFFFFC00, v59  }
0x77: {  	v3 =	vor.u32 v3, v4  }
0x78: {  	v3 =	vadd.s32 v2, v3;
	_ =	sdelay $0x4  }
0x79: {  	[tilespmem:v3+s23+$0x0] =	vst.idx.add.f32.msk $0xffff, v1  }
0x7a: {  	v3 =	vld [tilespmem:s16+$0x3840];
	_ =	sdelay $0x4  }
0x7b: {  	v60 =	vshll.u32 v3, $0x3  }
0x7c: {  	v3 =	vand.u32 $0x7F, v3;
	v4 =	vand.u32 $0xFFFFFC00, v60  }
0x7d: {  	v3 =	vor.u32 v3, v4  }
0x7e: {  	v3 =	vadd.s32 v0, v3;
	_ =	sdelay $0x4  }
0x7f: {  	[tilespmem:v3+s23+$0x0] =	vst.idx.add.f32.msk $0xffff, v1  }
0x80: {  	v3 =	vld [tilespmem:s16+$0x3850];
	_ =	sdelay $0x4  }
0x81: {  	v61 =	vshll.u32 v3, $0x3  }
0x82: {  	v3 =	vand.u32 $0x7F, v3;
	v4 =	vand.u32 $0xFFFFFC00, v61  }
0x83: {  	v3 =	vor.u32 v3, v4  }
0x84: {  	v3 =	vadd.s32 v2, v3;
	_ =	sdelay $0x4  }
0x85: {  	[tilespmem:v3+s23+$0x0] =	vst.idx.add.f32.msk $0xffff, v1  }
0x86: {  	v3 =	vld [tilespmem:s16+$0x3860];
	_ =	sdelay $0x4  }
0x87: {  	v62 =	vshll.u32 v3, $0x3  }
0x88: {  	v3 =	vand.u32 $0x7F, v3;
	v4 =	vand.u32 $0xFFFFFC00, v62  }
0x89: {  	v3 =	vor.u32 v3, v4  }
0x8a: {  	v3 =	vadd.s32 v0, v3;
	_ =	sdelay $0x4  }
0x8b: {  	[tilespmem:v3+s23+$0x0] =	vst.idx.add.f32.msk $0xffff, v1  }
0x8c: {  	v3 =	vld [tilespmem:s16+$0x3870];
	_ =	sdelay $0x4  }
0x8d: {  	v63 =	vshll.u32 v3, $0x3  }
0x8e: {  	v3 =	vand.u32 $0x7F, v3;
	v4 =	vand.u32 $0xFFFFFC00, v63  }
0x8f: {  	v3 =	vor.u32 v3, v4  }
0x90: {  	p0 =	sne.s32 s0, $0x1600;
	v3 =	vadd.s32 v2, v3  }
.Ltmp6:
0x91: {  	_ = 	snop;
	(pc) =	sbr.rel @p0 .LBB2_6-.Ltmp6, $2  }
0x92: {  	_ =	sdelay $0x2  }
0x93: {  	s0 =	sadd.s32 $0x200, s0;
	[tilespmem:v3+s23+$0x0] =	vst.idx.add.f32.msk $0xffff, v1  }
0x94: {  	v3 =	vld [tilespmem:$0x3E00];
	_ =	sdelay $0x4  }
0x95: {  	v4 =	vshll.u32 v3, $0x3  }
0x96: {  	v3 =	vand.u32 $0x7F, v3;
	v4 =	vand.u32 $0xFFFFFC00, v4  }
0x97: {  	v3 =	vor.u32 v3, v4  }
0x98: {  	v3 =	vadd.s32 v0, v3;
	_ =	sdelay $0x4  }
0x99: {  	[tilespmem:v3+s23+$0x0] =	vst.idx.add.f32.msk $0xffff, v1  }
0x9a: {  	v3 =	vld [tilespmem:$0x3E10];
	_ =	sdelay $0x4  }
0x9b: {  	v61 =	vshll.u32 v3, $0x3  }
0x9c: {  	v3 =	vand.u32 $0x7F, v3;
	v4 =	vand.u32 $0xFFFFFC00, v61  }
0x9d: {  	v3 =	vor.u32 v3, v4  }
0x9e: {  	v3 =	vadd.s32 v2, v3;
	_ =	sdelay $0x4  }
0x9f: {  	[tilespmem:v3+s23+$0x0] =	vst.idx.add.f32.msk $0xffff, v1  }
0xa0: {  	v3 =	vld [tilespmem:$0x3E20];
	_ =	sdelay $0x4  }
0xa1: {  	v62 =	vshll.u32 v3, $0x3  }
0xa2: {  	v3 =	vand.u32 $0x7F, v3;
	v4 =	vand.u32 $0xFFFFFC00, v62  }
0xa3: {  	v3 =	vor.u32 v3, v4  }
0xa4: {  	v3 =	vadd.s32 v0, v3;
	_ =	sdelay $0x4  }
0xa5: {  	[tilespmem:v3+s23+$0x0] =	vst.idx.add.f32.msk $0xffff, v1  }
0xa6: {  	v3 =	vld [tilespmem:$0x3E30];
	_ =	sdelay $0x4  }
0xa7: {  	v63 =	vshll.u32 v3, $0x3  }
0xa8: {  	v3 =	vand.u32 $0x7F, v3;
	v4 =	vand.u32 $0xFFFFFC00, v63  }
0xa9: {  	v3 =	vor.u32 v3, v4  }
0xaa: {  	v3 =	vadd.s32 v2, v3;
	_ =	sdelay $0x1  }
0xab: {  	s0 =	sshll.u32 s31, $0x5  }
0xac: {  	p0 =	seq.s32 s3, $0x1;
	s0 =	sadd.s32 s13, s0  }
0xad: {  	s16 =	sshll.u32 @p0 s0, $0x7  }
0xae: {  	s31 =	simm.s32 @p0 $0x0;
	s21 =	simm.s32 @p0 $0x4000;
	s16 =	sadd.s32 @p0 s9, s16;
	[tilespmem:v3+s23+$0x0] =	vst.idx.add.f32.msk $0xffff, v1  }
0xaf: {  	[hbm4b:s16+s31] =	stream.linear.scatter @p0 [tilespmem:s21], [sflag:$0x4], $0x8000, $0x38;
	[tilespmem:$0x18000] =	vst v63  }
.Ltmp7:
0xb0: {  	p1 =	sne.s32 @!p0 s3, $0x0;
	(pc) =	sbr.rel .LBB2_8-.Ltmp7, $4  }
0xb1: {  	p0 =	por p1, p0  }
0xb2: {  	s0 =	sshll.u32 @!p0 s0, $0x7  }
0xb3: {  	s3 =	simm.s32 @!p0 $0x0;
	s16 =	simm.s32 @!p0 $0x4000;
	s0 =	sadd.s32 @!p0 s8, s0  }
0xb4: {  	[hbm4b:s0+s3] =	stream.linear.scatter @!p0 [tilespmem:s16], [sflag:$0x4], $0x8000, $0x38;
	[tilespmem:$0x18000] =	vst v63  }
.LBB2_10:
0xb5: {  	_ =	sfence.sel $0x180000  }
0xb6: {  	[bflag:$0x0] =	sbarrier.arrive $0xFFFF  }
0xb7: {  	_ =	strace $0x90000047  }
0xb8: {  	s0 =	stileid.u32;
	[bflag:$0x2] =	sbarrier.arrive $0xFFFF  }
0xb9: {  	p0 =	sne.s32 s0, $0x0;
	s0 =	rddreg [dreg:$0x4]  }
0xba: {  	s0 =	sadd.s32 @!p0 $0x100000, s0  }
0xbb: {  	[sflag:s0] =	ssyncadd.tile.s32 @!p0 $0x1;
	_ =	shalt  }
.Lfunc_end2:
_tile_overlayer_lowered:
.L_overlay_start_2:
0xbc: {  	(tag) =	ssettag $0x2  }
0xbd: {  	s0 =	rddreg [dreg:$0x0];
	s2 =	stileid.u32  }
0xbe: {  	s1 =	rddreg [dreg:$0x1];
	p0 =	sne.s32 s2, $0x0  }
0xbf: {  	s3 =	rddreg [dreg:$0x2];
	[bflag:$0x3] =	sbarrier.arrive $0xFFFF;
	s2 =	simm.s32 @!p0 $0x1C05  }
0xc0: {  	[timem:s3], [sflag:s2] =	dma.local @!p0 [hbm:s0], s1  }
0xc1: {  	s0 =	simm.s32 @!p0 $0x5  }
0xc2: {  	_ =	swait.ge @!p0 [sflag:s0], s1  }
0xc3: {  	s1 =	ssub.s32 @!p0 $0x0, s1;
	[sflag:s0] =	ssyncset.done @!p0 $0x0  }
0xc4: {  	[sflag:s0] =	ssyncadd.s32 @!p0 s1  }
0xc5: {  	[bflag:$0x3] =	sbarrier.arrive $0xFFFF  }
0xc6: {  	_ =	shalt  }

</sc_bundles>
